<compile_context>
chip_gen: v7x
topology: tpu7x:2x2x1
jax: 0.10.2.dev20260603
libtpu: 0.0.44.dev20260713+nightly
codegen_flags: <defaults>
</compile_context>

<pallas_src>
import functools

import jax
import jax.numpy as jnp
from jax import lax
from jax.experimental import pallas as pl
from jax.experimental.pallas import tpu as pltpu
from jax.experimental.pallas import tpu_sc as plsc

N = 10000
E = 320000
D = 128
DH = D // 2
DW = 16
AW = DH + DW

NC = 2
NS = 16
CHUNK = 128
G = 2
GLEN = G * CHUNK
EPW = 20480
NG = EPW // GLEN
E_PAD = NS * EPW
N_PAD = 10240

SHIFT = 14
MASK = (1 << SHIFT) - 1

ZROWS = N_PAD // NS
ZHALF = ZROWS // 2
OROWS = 624
OTAIL = N - NS * OROWS


def _sc_aggregate(xal, xar, epacked):
    mesh = plsc.VectorSubcoreMesh(core_axis_name="c", subcore_axis_name="s")

    @functools.partial(
        pl.kernel, mesh=mesh,
        out_type=(
            jax.ShapeDtypeStruct((N, AW), jnp.float32),
            jax.ShapeDtypeStruct((N, AW), jnp.float32),
        ),
        scratch_types=[
            pltpu.VMEM_SHARED((N_PAD, AW), jnp.float32),
            pltpu.VMEM((2, GLEN), jnp.int32),
            pltpu.VMEM((2, G, CHUNK), jnp.int32),
            pltpu.VMEM((2, G, CHUNK), jnp.int32),
            pltpu.VMEM((2, G, CHUNK, AW), jnp.float32),
            pltpu.VMEM((ZHALF, AW), jnp.float32),
            pltpu.SemaphoreType.DMA,
            pltpu.SemaphoreType.DMA,
            pltpu.SemaphoreType.DMA,
            pltpu.SemaphoreType.DMA,
            pltpu.SemaphoreType.DMA,
            pltpu.SemaphoreType.DMA,
        ],
        compiler_params=pltpu.CompilerParams(use_tc_tiling_on_sc=False),
    )
    def k(xal_hbm, xar_hbm, e_hbm, aggl_out, aggr_out,
          agg_sp, pck_v, src_v, dst_v, rows_v, zagg_v,
          si0, si1, sg0, sg1, sa0, sa1):
        si = (si0, si1)
        sg = (sg0, sg1)
        sa = (sa0, sa1)

        c = lax.axis_index("c")
        s = lax.axis_index("s")
        on_sc0 = c == 0

        zero16 = jnp.zeros((16,), jnp.float32)

        @pl.loop(0, ZHALF)
        def _(i):
            @pl.loop(0, AW // 16)
            def _(j):
                zagg_v[i, pl.ds(j * 16, 16)] = zero16

        zrow = s * ZROWS
        pltpu.sync_copy(zagg_v, agg_sp.at[pl.ds(zrow, ZHALF)])
        pltpu.sync_copy(zagg_v, agg_sp.at[pl.ds(zrow + ZHALF, ZHALF)])
        plsc.subcore_barrier()

        grow = s * (EPW // GLEN)

        def issue_idx(g, b):
            pltpu.async_copy(e_hbm.at[grow + g], pck_v.at[b], si[b])

        def wait_idx(b):
            pltpu.make_async_copy(e_hbm.at[0], pck_v.at[b], si[b]).wait()

        def unpack(b):
            for j in range(G):
                @pl.loop(0, CHUNK // 16)
                def _(u):
                    p = pck_v[b, pl.ds(j * CHUNK + u * 16, 16)]
                    src_v[b, j, pl.ds(u * 16, 16)] = (
                        lax.shift_right_logical(p, SHIFT))
                    dst_v[b, j, pl.ds(u * 16, 16)] = lax.bitwise_and(p, MASK)

        def issue_gathers(b):
            @pl.when(on_sc0)
            def _():
                @pl.loop(0, G)
                def _(j):
                    pltpu.async_copy(xal_hbm.at[src_v.at[b, j]],
                                     rows_v.at[b, j], sg[b])

            @pl.when(~on_sc0)
            def _():
                @pl.loop(0, G)
                def _(j):
                    pltpu.async_copy(xar_hbm.at[src_v.at[b, j]],
                                     rows_v.at[b, j], sg[b])

        def wait_gathers(b):
            @pl.loop(0, G)
            def _(j):
                pltpu.make_async_copy(xal_hbm.at[src_v.at[b, j]],
                                      rows_v.at[b, j], sg[b]).wait()

        def issue_scatters(b):
            @pl.loop(0, G)
            def _(j):
                pltpu.async_copy(rows_v.at[b, j], agg_sp.at[dst_v.at[b, j]],
                                 sa[b], add=True)

        def wait_scatters(b):
            @pl.loop(0, G)
            def _(j):
                pltpu.make_async_copy(rows_v.at[b, j],
                                      agg_sp.at[dst_v.at[b, j]], sa[b]).wait()

        pltpu.sync_copy(e_hbm.at[grow], pck_v.at[0])
        unpack(0)
        issue_gathers(0)
        issue_idx(1, 1)

        @pl.loop(0, NG // 2)
        def _(t):
            for b in (0, 1):
                nxt = 1 - b

                def prep():
                    wait_idx(nxt)

                    def drain():
                        wait_scatters(nxt)
                    if b == 0:
                        pl.when(t > 0)(drain)
                    else:
                        drain()
                    unpack(nxt)

                    def fetch():
                        issue_idx(2 * t + b + 2, b)
                    if b == 0:
                        pl.when(t < NG // 2 - 1)(fetch)
                    else:
                        fetch()
                    issue_gathers(nxt)
                if b == 0:
                    prep()
                else:
                    pl.when(t < NG // 2 - 1)(prep)
                wait_gathers(b)
                issue_scatters(b)

        wait_scatters(0)
        wait_scatters(1)
        plsc.subcore_barrier()

        orow = s * OROWS

        def writeback(agg_dst):
            pltpu.sync_copy(agg_sp.at[pl.ds(orow, OROWS)],
                            agg_dst.at[pl.ds(orow, OROWS)])

            @pl.when(s == NS - 1)
            def _():
                tail = NS * OROWS
                pltpu.sync_copy(agg_sp.at[pl.ds(tail, OTAIL)],
                                agg_dst.at[pl.ds(tail, OTAIL)])

        @pl.when(on_sc0)
        def _():
            writeback(aggl_out)

        @pl.when(~on_sc0)
        def _():
            writeback(aggr_out)

    return k(xal, xar, epacked)


BLK = 1000


def _tc_body(x_ref, al_ref, ar_ref, w_ref, b_ref, o_ref):
    inv = 1.0 / jnp.maximum(al_ref[:, DH:DH + 1], 1.0)
    h = jnp.dot(x_ref[...], w_ref[0:D, :], preferred_element_type=jnp.float32)
    h += jnp.dot(al_ref[:, :DH] * inv, w_ref[D:D + DH, :],
                 preferred_element_type=jnp.float32)
    h += jnp.dot(ar_ref[:, :DH] * inv, w_ref[D + DH:2 * D, :],
                 preferred_element_type=jnp.float32)
    o_ref[...] = jnp.maximum(h + b_ref[...], 0.0)


def _tc_linear(x, aggl, aggr, w, b2):
    return pl.pallas_call(
        _tc_body,
        grid=(N // BLK,),
        in_specs=[
            pl.BlockSpec((BLK, D), lambda i: (i, 0)),
            pl.BlockSpec((BLK, AW), lambda i: (i, 0)),
            pl.BlockSpec((BLK, AW), lambda i: (i, 0)),
            pl.BlockSpec((2 * D, D), lambda i: (0, 0)),
            pl.BlockSpec((1, D), lambda i: (0, 0)),
        ],
        out_specs=pl.BlockSpec((BLK, D), lambda i: (i, 0)),
        out_shape=jax.ShapeDtypeStruct((N, D), jnp.float32),
    )(x, aggl, aggr, w, b2)


def kernel(X, edge_index, W, b):
    src = edge_index[0].astype(jnp.int32)
    dst = edge_index[1].astype(jnp.int32)
    pad = E_PAD - E
    packed = jnp.concatenate([
        jnp.left_shift(src, SHIFT) | dst,
        jnp.full((pad,), N, jnp.int32),
    ])
    ones = jnp.ones((N, DW), jnp.float32)
    xal = jnp.concatenate([X[:, :DH], ones], axis=1)
    xar = jnp.concatenate([X[:, DH:], ones], axis=1)
    aggl, aggr = _sc_aggregate(xal, xar, packed.reshape(E_PAD // GLEN, GLEN))
    return _tc_linear(X, aggl, aggr, W, b.reshape(1, D))

# --- scband reference (transcript-rebuilt; emitter-appended) ---
"""Pipeline reference for scband-graph-sageconv-61967788146812 (READ-ONLY COPY).

The authoritative reference and input builder live on the scoring server;
editing this copy changes nothing except your own understanding.
"""

import jax, jax.numpy as jnp
import numpy as np

N_NODES = 10000
N_EDGES = 320000
D_IN = 128
D_OUT = 128


def setup_inputs(seed: int = 0) -> dict:
    key = jax.random.key(seed)
    k1, k2, k3, k4 = jax.random.split(key, 4)
    X = jax.random.normal(k1, (N_NODES, D_IN), dtype=jnp.float32)
    edge_index = jax.random.randint(k2, (2, N_EDGES), 0, N_NODES, dtype=jnp.int64)
    # Linear theta: in_features = 2*D_IN, out_features = D_OUT (torch nn.Linear init scale)
    limit = 1.0 / np.sqrt(2 * D_IN)
    W = jax.random.uniform(k3, (2 * D_IN, D_OUT), minval=-limit, maxval=limit, dtype=jnp.float32)
    b = jax.random.uniform(k4, (D_OUT,), minval=-limit, maxval=limit, dtype=jnp.float32)
    return {"X": X, "edge_index": edge_index, "W": W, "b": b}


def reference(X, edge_index, W, b):
    # GraphSAGE mean aggregation: X_nbr[i] = mean_{j in N(i)} X[j]
    # edge j -> i encoded as edge_index[0]=src(j), edge_index[1]=dst(i)
    src = edge_index[0]
    dst = edge_index[1]
    n = X.shape[0]
    msgs = jnp.take(X, src, axis=0)                       # gather [E, D_IN]
    agg = jax.ops.segment_sum(msgs, dst, num_segments=n)  # scatter-add [N, D_IN]
    deg = jax.ops.segment_sum(jnp.ones((msgs.shape[0],), dtype=X.dtype), dst, num_segments=n)
    X_nbr = agg / jnp.clip(deg, 1.0, None)[:, None]
    h = jnp.concatenate([X, X_nbr], axis=1)               # [N, 2*D_IN]
    out = h @ W + b                                       # theta linear
    # is_last=False -> ReLU then dropout (dropout is identity in eval mode)
    out = jax.nn.relu(out)
    return out

if __name__ == "__main__":
    import jax
    _d = setup_inputs()
    print(jax.jit(kernel)(*tuple(_d.values())))

</pallas_src>

<mosaic_0001>
#map = affine_map<(d0, d1) -> (0, 0)>
module attributes {stable_mosaic.version = 14 : i64} {
  func.func @k(%arg0: i32, %arg1: i32, %arg2: memref<10000x80xf32, #tpu.memory_space<hbm>>, %arg3: memref<10000x80xf32, #tpu.memory_space<hbm>>, %arg4: memref<1280x256xi32, #tpu.memory_space<hbm>>, %arg5: memref<10000x80xf32, #tpu.memory_space<hbm>>, %arg6: memref<10000x80xf32, #tpu.memory_space<hbm>>, %arg7: memref<10240x80xf32, #tpu.memory_space<vmem_shared>>, %arg8: memref<2x256xi32, #tpu.memory_space<vmem>>, %arg9: memref<2x2x128xi32, #tpu.memory_space<vmem>>, %arg10: memref<2x2x128xi32, #tpu.memory_space<vmem>>, %arg11: memref<2x2x128x80xf32, #tpu.memory_space<vmem>>, %arg12: memref<320x80xf32, #tpu.memory_space<vmem>>, %arg13: memref<!tpu.dma_semaphore, #tpu.memory_space<semaphore_mem>>, %arg14: memref<!tpu.dma_semaphore, #tpu.memory_space<semaphore_mem>>, %arg15: memref<!tpu.dma_semaphore, #tpu.memory_space<semaphore_mem>>, %arg16: memref<!tpu.dma_semaphore, #tpu.memory_space<semaphore_mem>>, %arg17: memref<!tpu.dma_semaphore, #tpu.memory_space<semaphore_mem>>, %arg18: memref<!tpu.dma_semaphore, #tpu.memory_space<semaphore_mem>>) attributes {dimension_semantics = [#tpu.dimension_semantics<core_parallel>, #tpu.dimension_semantics<subcore_parallel>], iteration_bounds = array<i64: 2, 16>, scalar_prefetch = 0 : i64, scratch_operands = 12 : i64, tpu.core_type = #tpu.core_type<sc_vector_subcore>, window_params = [{transform_indices = #map}, {transform_indices = #map}, {transform_indices = #map}, {transform_indices = #map}, {transform_indices = #map}]} {
    %eq3A = arith.constant 0 : i32
    %eq3A_0 = arith.cmpi eq, %arg0, %eq3A : i32
    %broadcast_in_dim3A = arith.constant 0.000000e+00 : f32
    %broadcast_in_dim3A_1 = vector.broadcast %broadcast_in_dim3A : f32 to vector<16xf32>
    %scan3A = arith.constant 0 : i32
    %scan3A_2 = arith.constant 320 : i32
    %scan3A_3 = arith.addi %scan3A, %scan3A_2 : i32
    %scan3A_4 = arith.constant 1 : i32
    scf.for %scan3A_65 = %scan3A to %scan3A_3 step %scan3A_4  : i32 {
      %mul3A_66 = arith.constant 1 : i32
      %mul3A_67 = arith.muli %scan3A_65, %mul3A_66 : i32
      %add3A_68 = arith.constant 0 : i32
      %add3A_69 = arith.addi %add3A_68, %mul3A_67 : i32
      %scan3A_70 = arith.constant 0 : i32
      %scan3A_71 = arith.constant 5 : i32
      %scan3A_72 = arith.addi %scan3A_70, %scan3A_71 : i32
      %scan3A_73 = arith.constant 1 : i32
      scf.for %scan3A_75 = %scan3A_70 to %scan3A_72 step %scan3A_73  : i32 {
        %mul3A_76 = arith.constant 1 : i32
        %mul3A_77 = arith.muli %scan3A_75, %mul3A_76 : i32
        %add3A_78 = arith.constant 0 : i32
        %add3A_79 = arith.addi %add3A_78, %mul3A_77 : i32
        %mul3A_80 = arith.constant 16 : i32
        %mul3A_81 = arith.muli %add3A_79, %mul3A_80 : i32
        %swap3A = arith.index_cast %add3A_69 : i32 to index
        %swap3A_82 = arith.index_cast %mul3A_81 : i32 to index
        %swap3A_83 = tpu.vector_load %arg12[%swap3A, %swap3A_82] {strides = array<i32>} : memref<320x80xf32, #tpu.memory_space<vmem>>, vector<1x16xf32>,
        %swap3A_84 = vector.shape_cast %swap3A_83 : vector<1x16xf32> to vector<16xf32>
        %swap3A_85 = vector.shape_cast %broadcast_in_dim3A_1 : vector<16xf32> to vector<1x16xf32>
        tpu.vector_store %arg12[%swap3A, %swap3A_82], %swap3A_85 {strides = array<i32>} : memref<320x80xf32, #tpu.memory_space<vmem>>, vector<1x16xf32>,
      }
      %scan3A_74 = arith.constant 5 : i32
    }
    %scan3A_5 = arith.constant 320 : i32
    %mul3A = arith.constant 640 : i32
    %mul3A_6 = arith.muli %arg1, %mul3A : i32
    "tpu.region"() ({
      %run_scoped3A_65 = tpu.sem_alloc : memref<!tpu.dma_semaphore, #tpu.memory_space<semaphore_mem>>
      %dma_start3A_66 = arith.constant 0 : i32
      %dma_start3A_67 = tpu.memref_slice %arg7[%mul3A_6, %dma_start3A_66] : memref<10240x80xf32, #tpu.memory_space<vmem_shared>> -> memref<320x80xf32, #tpu.memory_space<vmem_shared>>
      %dma_start3A_68 = arith.constant 0 : i32
      %dma_start3A_69 = tpu.memref_slice %arg7[%mul3A_6, %dma_start3A_68] : memref<10240x80xf32, #tpu.memory_space<vmem_shared>> -> memref<320x80xf32, #tpu.memory_space<vmem_shared>>
      tpu.enqueue_dma source(%arg12 : memref<320x80xf32, #tpu.memory_space<vmem>>) target(%dma_start3A_69 : memref<320x80xf32, #tpu.memory_space<vmem_shared>>) target_semaphore(%run_scoped3A_65 : memref<!tpu.dma_semaphore, #tpu.memory_space<semaphore_mem>>)
      %dma_wait3A = arith.constant 0 : i32
      %dma_wait3A_70 = tpu.memref_slice %arg7[%mul3A_6, %dma_wait3A] : memref<10240x80xf32, #tpu.memory_space<vmem_shared>> -> memref<320x80xf32, #tpu.memory_space<vmem_shared>>
      %dma_wait3A_71 = arith.constant 0 : i32
      %dma_wait3A_72 = tpu.memref_slice %arg7[%mul3A_6, %dma_wait3A_71] : memref<10240x80xf32, #tpu.memory_space<vmem_shared>> -> memref<320x80xf32, #tpu.memory_space<vmem_shared>>
      tpu.wait_dma2 semaphore(%run_scoped3A_65 : memref<!tpu.dma_semaphore, #tpu.memory_space<semaphore_mem>>) src(%arg12 : memref<320x80xf32, #tpu.memory_space<vmem>>) dst(%dma_wait3A_72 : memref<320x80xf32, #tpu.memory_space<vmem_shared>>)
      tpu.yield
    }) : () -> ()
    %add3A = arith.constant 320 : i32
    %add3A_7 = arith.addi %mul3A_6, %add3A : i32
    "tpu.region"() ({
      %run_scoped3A_65 = tpu.sem_alloc : memref<!tpu.dma_semaphore, #tpu.memory_space<semaphore_mem>>
      %dma_start3A_66 = arith.constant 0 : i32
      %dma_start3A_67 = tpu.memref_slice %arg7[%add3A_7, %dma_start3A_66] : memref<10240x80xf32, #tpu.memory_space<vmem_shared>> -> memref<320x80xf32, #tpu.memory_space<vmem_shared>>
      %dma_start3A_68 = arith.constant 0 : i32
      %dma_start3A_69 = tpu.memref_slice %arg7[%add3A_7, %dma_start3A_68] : memref<10240x80xf32, #tpu.memory_space<vmem_shared>> -> memref<320x80xf32, #tpu.memory_space<vmem_shared>>
      tpu.enqueue_dma source(%arg12 : memref<320x80xf32, #tpu.memory_space<vmem>>) target(%dma_start3A_69 : memref<320x80xf32, #tpu.memory_space<vmem_shared>>) target_semaphore(%run_scoped3A_65 : memref<!tpu.dma_semaphore, #tpu.memory_space<semaphore_mem>>)
      %dma_wait3A = arith.constant 0 : i32
      %dma_wait3A_70 = tpu.memref_slice %arg7[%add3A_7, %dma_wait3A] : memref<10240x80xf32, #tpu.memory_space<vmem_shared>> -> memref<320x80xf32, #tpu.memory_space<vmem_shared>>
      %dma_wait3A_71 = arith.constant 0 : i32
      %dma_wait3A_72 = tpu.memref_slice %arg7[%add3A_7, %dma_wait3A_71] : memref<10240x80xf32, #tpu.memory_space<vmem_shared>> -> memref<320x80xf32, #tpu.memory_space<vmem_shared>>
      tpu.wait_dma2 semaphore(%run_scoped3A_65 : memref<!tpu.dma_semaphore, #tpu.memory_space<semaphore_mem>>) src(%arg12 : memref<320x80xf32, #tpu.memory_space<vmem>>) dst(%dma_wait3A_72 : memref<320x80xf32, #tpu.memory_space<vmem_shared>>)
      tpu.yield
    }) : () -> ()
    %barrier3A = arith.constant 0 : index
    tpu.barrier barrier_id(%barrier3A)
    %mul3A_8 = arith.constant 80 : i32
    %mul3A_9 = arith.muli %arg1, %mul3A_8 : i32
    %run_scoped3A = arith.constant 0 : i32
    "tpu.region"() ({
      %run_scoped3A_65 = tpu.sem_alloc : memref<!tpu.dma_semaphore, #tpu.memory_space<semaphore_mem>>
      %dma_start3A_66 = arith.constant 0 : i32
      %dma_start3A_67 = tpu.memref_slice %arg8[%run_scoped3A, %dma_start3A_66] : memref<2x256xi32, #tpu.memory_space<vmem>> -> memref<1x256xi32, #tpu.memory_space<vmem>>
      %dma_start3A_68 = tpu.memref_squeeze %dma_start3A_67 : memref<1x256xi32, #tpu.memory_space<vmem>> -> memref<256xi32, #tpu.memory_space<vmem>>
      %dma_start3A_69 = arith.constant 0 : i32
      %dma_start3A_70 = tpu.memref_slice %arg4[%mul3A_9, %dma_start3A_69] : memref<1280x256xi32, #tpu.memory_space<hbm>> -> memref<1x256xi32, #tpu.memory_space<hbm>>
      %dma_start3A_71 = tpu.memref_squeeze %dma_start3A_70 : memref<1x256xi32, #tpu.memory_space<hbm>> -> memref<256xi32, #tpu.memory_space<hbm>>
      %dma_start3A_72 = arith.constant 0 : i32
      %dma_start3A_73 = tpu.memref_slice %arg8[%run_scoped3A, %dma_start3A_72] : memref<2x256xi32, #tpu.memory_space<vmem>> -> memref<1x256xi32, #tpu.memory_space<vmem>>
      %dma_start3A_74 = tpu.memref_squeeze %dma_start3A_73 : memref<1x256xi32, #tpu.memory_space<vmem>> -> memref<256xi32, #tpu.memory_space<vmem>>
      %dma_start3A_75 = arith.constant 0 : i32
      %dma_start3A_76 = tpu.memref_slice %arg4[%mul3A_9, %dma_start3A_75] : memref<1280x256xi32, #tpu.memory_space<hbm>> -> memref<1x256xi32, #tpu.memory_space<hbm>>
      %dma_start3A_77 = tpu.memref_squeeze %dma_start3A_76 : memref<1x256xi32, #tpu.memory_space<hbm>> -> memref<256xi32, #tpu.memory_space<hbm>>
      tpu.enqueue_dma source(%dma_start3A_77 : memref<256xi32, #tpu.memory_space<hbm>>) target(%dma_start3A_74 : memref<256xi32, #tpu.memory_space<vmem>>) target_semaphore(%run_scoped3A_65 : memref<!tpu.dma_semaphore, #tpu.memory_space<semaphore_mem>>)
      %dma_wait3A = arith.constant 0 : i32
      %dma_wait3A_78 = tpu.memref_slice %arg8[%run_scoped3A, %dma_wait3A] : memref<2x256xi32, #tpu.memory_space<vmem>> -> memref<1x256xi32, #tpu.memory_space<vmem>>
      %dma_wait3A_79 = tpu.memref_squeeze %dma_wait3A_78 : memref<1x256xi32, #tpu.memory_space<vmem>> -> memref<256xi32, #tpu.memory_space<vmem>>
      %dma_wait3A_80 = arith.constant 0 : i32
      %dma_wait3A_81 = tpu.memref_slice %arg4[%mul3A_9, %dma_wait3A_80] : memref<1280x256xi32, #tpu.memory_space<hbm>> -> memref<1x256xi32, #tpu.memory_space<hbm>>
      %dma_wait3A_82 = tpu.memref_squeeze %dma_wait3A_81 : memref<1x256xi32, #tpu.memory_space<hbm>> -> memref<256xi32, #tpu.memory_space<hbm>>
      %dma_wait3A_83 = arith.constant 0 : i32
      %dma_wait3A_84 = tpu.memref_slice %arg8[%run_scoped3A, %dma_wait3A_83] : memref<2x256xi32, #tpu.memory_space<vmem>> -> memref<1x256xi32, #tpu.memory_space<vmem>>
      %dma_wait3A_85 = tpu.memref_squeeze %dma_wait3A_84 : memref<1x256xi32, #tpu.memory_space<vmem>> -> memref<256xi32, #tpu.memory_space<vmem>>
      %dma_wait3A_86 = arith.constant 0 : i32
      %dma_wait3A_87 = tpu.memref_slice %arg4[%mul3A_9, %dma_wait3A_86] : memref<1280x256xi32, #tpu.memory_space<hbm>> -> memref<1x256xi32, #tpu.memory_space<hbm>>
      %dma_wait3A_88 = tpu.memref_squeeze %dma_wait3A_87 : memref<1x256xi32, #tpu.memory_space<hbm>> -> memref<256xi32, #tpu.memory_space<hbm>>
      tpu.wait_dma2 semaphore(%run_scoped3A_65 : memref<!tpu.dma_semaphore, #tpu.memory_space<semaphore_mem>>) src(%dma_wait3A_88 : memref<256xi32, #tpu.memory_space<hbm>>) dst(%dma_wait3A_85 : memref<256xi32, #tpu.memory_space<vmem>>)
      tpu.yield
    }) : () -> ()
    %scan3A_10 = arith.constant 0 : i32
    %scan3A_11 = arith.constant 8 : i32
    %scan3A_12 = arith.addi %scan3A_10, %scan3A_11 : i32
    %scan3A_13 = arith.constant 1 : i32
    scf.for %scan3A_65 = %scan3A_10 to %scan3A_12 step %scan3A_13  : i32 {
      %mul3A_66 = arith.constant 1 : i32
      %mul3A_67 = arith.muli %scan3A_65, %mul3A_66 : i32
      %add3A_68 = arith.constant 0 : i32
      %add3A_69 = arith.addi %add3A_68, %mul3A_67 : i32
      %mul3A_70 = arith.constant 16 : i32
      %mul3A_71 = arith.muli %add3A_69, %mul3A_70 : i32
      %add3A_72 = arith.constant 0 : i32
      %add3A_73 = arith.addi %add3A_72, %mul3A_71 : i32
      %get3A = arith.constant 0 : i32
      %get3A_74 = arith.index_cast %get3A : i32 to index
      %get3A_75 = arith.index_cast %add3A_73 : i32 to index
      %get3A_76 = tpu.vector_load %arg8[%get3A_74, %get3A_75] {strides = array<i32>} : memref<2x256xi32, #tpu.memory_space<vmem>>, vector<1x16xi32>,
      %get3A_77 = vector.shape_cast %get3A_76 : vector<1x16xi32> to vector<16xi32>
      %shift_right_logical3A = arith.constant 14 : i32
      %shift_right_logical3A_78 = vector.broadcast %shift_right_logical3A : i32 to vector<16xi32>
      %shift_right_logical3A_79 = arith.shrui %get3A_77, %shift_right_logical3A_78 : vector<16xi32>
      %mul3A_80 = arith.constant 16 : i32
      %mul3A_81 = arith.muli %add3A_69, %mul3A_80 : i32
      %swap3A = arith.constant 0 : i32
      %swap3A_82 = arith.constant 0 : i32
      %swap3A_83 = arith.index_cast %swap3A : i32 to index
      %swap3A_84 = arith.index_cast %swap3A_82 : i32 to index
      %swap3A_85 = arith.index_cast %mul3A_81 : i32 to index
      %swap3A_86 = tpu.vector_load %arg9[%swap3A_83, %swap3A_84, %swap3A_85] {strides = array<i32>} : memref<2x2x128xi32, #tpu.memory_space<vmem>>, vector<1x1x16xi32>,
      %swap3A_87 = vector.shape_cast %swap3A_86 : vector<1x1x16xi32> to vector<16xi32>
      %swap3A_88 = vector.shape_cast %shift_right_logical3A_79 : vector<16xi32> to vector<1x1x16xi32>
      tpu.vector_store %arg9[%swap3A_83, %swap3A_84, %swap3A_85], %swap3A_88 {strides = array<i32>} : memref<2x2x128xi32, #tpu.memory_space<vmem>>, vector<1x1x16xi32>,
      %and3A = arith.constant 16383 : i32
      %and3A_89 = vector.broadcast %and3A : i32 to vector<16xi32>
      %and3A_90 = arith.andi %get3A_77, %and3A_89 : vector<16xi32>
      %mul3A_91 = arith.constant 16 : i32
      %mul3A_92 = arith.muli %add3A_69, %mul3A_91 : i32
      %swap3A_93 = arith.constant 0 : i32
      %swap3A_94 = arith.constant 0 : i32
      %swap3A_95 = arith.index_cast %swap3A_93 : i32 to index
      %swap3A_96 = arith.index_cast %swap3A_94 : i32 to index
      %swap3A_97 = arith.index_cast %mul3A_92 : i32 to index
      %swap3A_98 = tpu.vector_load %arg10[%swap3A_95, %swap3A_96, %swap3A_97] {strides = array<i32>} : memref<2x2x128xi32, #tpu.memory_space<vmem>>, vector<1x1x16xi32>,
      %swap3A_99 = vector.shape_cast %swap3A_98 : vector<1x1x16xi32> to vector<16xi32>
      %swap3A_100 = vector.shape_cast %and3A_90 : vector<16xi32> to vector<1x1x16xi32>
      tpu.vector_store %arg10[%swap3A_95, %swap3A_96, %swap3A_97], %swap3A_100 {strides = array<i32>} : memref<2x2x128xi32, #tpu.memory_space<vmem>>, vector<1x1x16xi32>,
    }
    %scan3A_14 = arith.constant 8 : i32
    %scan3A_15 = arith.constant 0 : i32
    %scan3A_16 = arith.constant 8 : i32
    %scan3A_17 = arith.addi %scan3A_15, %scan3A_16 : i32
    %scan3A_18 = arith.constant 1 : i32
    scf.for %scan3A_65 = %scan3A_15 to %scan3A_17 step %scan3A_18  : i32 {
      %mul3A_66 = arith.constant 1 : i32
      %mul3A_67 = arith.muli %scan3A_65, %mul3A_66 : i32
      %add3A_68 = arith.constant 0 : i32
      %add3A_69 = arith.addi %add3A_68, %mul3A_67 : i32
      %mul3A_70 = arith.constant 16 : i32
      %mul3A_71 = arith.muli %add3A_69, %mul3A_70 : i32
      %add3A_72 = arith.constant 128 : i32
      %add3A_73 = arith.addi %add3A_72, %mul3A_71 : i32
      %get3A = arith.constant 0 : i32
      %get3A_74 = arith.index_cast %get3A : i32 to index
      %get3A_75 = arith.index_cast %add3A_73 : i32 to index
      %get3A_76 = tpu.vector_load %arg8[%get3A_74, %get3A_75] {strides = array<i32>} : memref<2x256xi32, #tpu.memory_space<vmem>>, vector<1x16xi32>,
      %get3A_77 = vector.shape_cast %get3A_76 : vector<1x16xi32> to vector<16xi32>
      %shift_right_logical3A = arith.constant 14 : i32
      %shift_right_logical3A_78 = vector.broadcast %shift_right_logical3A : i32 to vector<16xi32>
      %shift_right_logical3A_79 = arith.shrui %get3A_77, %shift_right_logical3A_78 : vector<16xi32>
      %mul3A_80 = arith.constant 16 : i32
      %mul3A_81 = arith.muli %add3A_69, %mul3A_80 : i32
      %swap3A = arith.constant 0 : i32
      %swap3A_82 = arith.constant 1 : i32
      %swap3A_83 = arith.index_cast %swap3A : i32 to index
      %swap3A_84 = arith.index_cast %swap3A_82 : i32 to index
      %swap3A_85 = arith.index_cast %mul3A_81 : i32 to index
      %swap3A_86 = tpu.vector_load %arg9[%swap3A_83, %swap3A_84, %swap3A_85] {strides = array<i32>} : memref<2x2x128xi32, #tpu.memory_space<vmem>>, vector<1x1x16xi32>,
      %swap3A_87 = vector.shape_cast %swap3A_86 : vector<1x1x16xi32> to vector<16xi32>
      %swap3A_88 = vector.shape_cast %shift_right_logical3A_79 : vector<16xi32> to vector<1x1x16xi32>
      tpu.vector_store %arg9[%swap3A_83, %swap3A_84, %swap3A_85], %swap3A_88 {strides = array<i32>} : memref<2x2x128xi32, #tpu.memory_space<vmem>>, vector<1x1x16xi32>,
      %and3A = arith.constant 16383 : i32
      %and3A_89 = vector.broadcast %and3A : i32 to vector<16xi32>
      %and3A_90 = arith.andi %get3A_77, %and3A_89 : vector<16xi32>
      %mul3A_91 = arith.constant 16 : i32
      %mul3A_92 = arith.muli %add3A_69, %mul3A_91 : i32
      %swap3A_93 = arith.constant 0 : i32
      %swap3A_94 = arith.constant 1 : i32
      %swap3A_95 = arith.index_cast %swap3A_93 : i32 to index
      %swap3A_96 = arith.index_cast %swap3A_94 : i32 to index
      %swap3A_97 = arith.index_cast %mul3A_92 : i32 to index
      %swap3A_98 = tpu.vector_load %arg10[%swap3A_95, %swap3A_96, %swap3A_97] {strides = array<i32>} : memref<2x2x128xi32, #tpu.memory_space<vmem>>, vector<1x1x16xi32>,
      %swap3A_99 = vector.shape_cast %swap3A_98 : vector<1x1x16xi32> to vector<16xi32>
      %swap3A_100 = vector.shape_cast %and3A_90 : vector<16xi32> to vector<1x1x16xi32>
      tpu.vector_store %arg10[%swap3A_95, %swap3A_96, %swap3A_97], %swap3A_100 {strides = array<i32>} : memref<2x2x128xi32, #tpu.memory_space<vmem>>, vector<1x1x16xi32>,
    }
    %scan3A_19 = arith.constant 8 : i32
    %convert_element_type3A = arith.extui %eq3A_0 : i1 to i32
    %cond3A = arith.constant 0 : i32
    %cond3A_20 = arith.cmpi ne, %convert_element_type3A, %cond3A : i32
    scf.if %cond3A_20 {
      %scan3A_65 = arith.constant 0 : i32
      %scan3A_66 = arith.constant 2 : i32
      %scan3A_67 = arith.addi %scan3A_65, %scan3A_66 : i32
      %scan3A_68 = arith.constant 1 : i32
      scf.for %scan3A_70 = %scan3A_65 to %scan3A_67 step %scan3A_68  : i32 {
        %mul3A_71 = arith.constant 1 : i32
        %mul3A_72 = arith.muli %scan3A_70, %mul3A_71 : i32
        %add3A_73 = arith.constant 0 : i32
        %add3A_74 = arith.addi %add3A_73, %mul3A_72 : i32
        %dma_start3A_75 = arith.constant 0 : i32
        %dma_start3A_76 = arith.constant 0 : i32
        %dma_start3A_77 = arith.constant 0 : i32
        %dma_start3A_78 = arith.constant 0 : i32
        %dma_start3A_79 = tpu.memref_slice %arg11[%dma_start3A_76, %add3A_74, %dma_start3A_77, %dma_start3A_78] : memref<2x2x128x80xf32, #tpu.memory_space<vmem>> -> memref<1x1x128x80xf32, #tpu.memory_space<vmem>>
        %dma_start3A_80 = tpu.memref_squeeze %dma_start3A_79 : memref<1x1x128x80xf32, #tpu.memory_space<vmem>> -> memref<128x80xf32, #tpu.memory_space<vmem>>
        %dma_start3A_81 = arith.constant 0 : i32
        %dma_start3A_82 = tpu.memref_slice %arg9[%dma_start3A_75, %add3A_74, %dma_start3A_81] : memref<2x2x128xi32, #tpu.memory_space<vmem>> -> memref<1x1x128xi32, #tpu.memory_space<vmem>>
        %dma_start3A_83 = tpu.memref_squeeze %dma_start3A_82 : memref<1x1x128xi32, #tpu.memory_space<vmem>> -> memref<128xi32, #tpu.memory_space<vmem>>
        %dma_start3A_84 = arith.constant 0 : i32
        %dma_start3A_85 = arith.constant 0 : i32
        %dma_start3A_86 = tpu.memref_slice %arg2[%dma_start3A_84, %dma_start3A_85] : memref<10000x80xf32, #tpu.memory_space<hbm>> -> memref<10000x80xf32, #tpu.memory_space<hbm>>
        tpu.enqueue_indirect_dma source(%dma_start3A_86 : memref<10000x80xf32, #tpu.memory_space<hbm>>) target(%dma_start3A_80 : memref<128x80xf32, #tpu.memory_space<vmem>>) offsets(%dma_start3A_83 : memref<128xi32, #tpu.memory_space<vmem>>) semaphore(%arg15 : memref<!tpu.dma_semaphore, #tpu.memory_space<semaphore_mem>>)
      }
      %scan3A_69 = arith.constant 2 : i32
    } else {
    }
    %not3A = arith.constant true
    %not3A_21 = arith.xori %eq3A_0, %not3A : i1
    %convert_element_type3A_22 = arith.extui %not3A_21 : i1 to i32
    %cond3A_23 = arith.constant 0 : i32
    %cond3A_24 = arith.cmpi ne, %convert_element_type3A_22, %cond3A_23 : i32
    scf.if %cond3A_24 {
      %scan3A_65 = arith.constant 0 : i32
      %scan3A_66 = arith.constant 2 : i32
      %scan3A_67 = arith.addi %scan3A_65, %scan3A_66 : i32
      %scan3A_68 = arith.constant 1 : i32
      scf.for %scan3A_70 = %scan3A_65 to %scan3A_67 step %scan3A_68  : i32 {
        %mul3A_71 = arith.constant 1 : i32
        %mul3A_72 = arith.muli %scan3A_70, %mul3A_71 : i32
        %add3A_73 = arith.constant 0 : i32
        %add3A_74 = arith.addi %add3A_73, %mul3A_72 : i32
        %dma_start3A_75 = arith.constant 0 : i32
        %dma_start3A_76 = arith.constant 0 : i32
        %dma_start3A_77 = arith.constant 0 : i32
        %dma_start3A_78 = arith.constant 0 : i32
        %dma_start3A_79 = tpu.memref_slice %arg11[%dma_start3A_76, %add3A_74, %dma_start3A_77, %dma_start3A_78] : memref<2x2x128x80xf32, #tpu.memory_space<vmem>> -> memref<1x1x128x80xf32, #tpu.memory_space<vmem>>
        %dma_start3A_80 = tpu.memref_squeeze %dma_start3A_79 : memref<1x1x128x80xf32, #tpu.memory_space<vmem>> -> memref<128x80xf32, #tpu.memory_space<vmem>>
        %dma_start3A_81 = arith.constant 0 : i32
        %dma_start3A_82 = tpu.memref_slice %arg9[%dma_start3A_75, %add3A_74, %dma_start3A_81] : memref<2x2x128xi32, #tpu.memory_space<vmem>> -> memref<1x1x128xi32, #tpu.memory_space<vmem>>
        %dma_start3A_83 = tpu.memref_squeeze %dma_start3A_82 : memref<1x1x128xi32, #tpu.memory_space<vmem>> -> memref<128xi32, #tpu.memory_space<vmem>>
        %dma_start3A_84 = arith.constant 0 : i32
        %dma_start3A_85 = arith.constant 0 : i32
        %dma_start3A_86 = tpu.memref_slice %arg3[%dma_start3A_84, %dma_start3A_85] : memref<10000x80xf32, #tpu.memory_space<hbm>> -> memref<10000x80xf32, #tpu.memory_space<hbm>>
        tpu.enqueue_indirect_dma source(%dma_start3A_86 : memref<10000x80xf32, #tpu.memory_space<hbm>>) target(%dma_start3A_80 : memref<128x80xf32, #tpu.memory_space<vmem>>) offsets(%dma_start3A_83 : memref<128xi32, #tpu.memory_space<vmem>>) semaphore(%arg15 : memref<!tpu.dma_semaphore, #tpu.memory_space<semaphore_mem>>)
      }
      %scan3A_69 = arith.constant 2 : i32
    } else {
    }
    %add3A_25 = arith.constant 1 : i32
    %add3A_26 = arith.addi %mul3A_9, %add3A_25 : i32
    %dma_start3A = arith.constant 1 : i32
    %dma_start3A_27 = arith.constant 0 : i32
    %dma_start3A_28 = tpu.memref_slice %arg8[%dma_start3A, %dma_start3A_27] : memref<2x256xi32, #tpu.memory_space<vmem>> -> memref<1x256xi32, #tpu.memory_space<vmem>>
    %dma_start3A_29 = tpu.memref_squeeze %dma_start3A_28 : memref<1x256xi32, #tpu.memory_space<vmem>> -> memref<256xi32, #tpu.memory_space<vmem>>
    %dma_start3A_30 = arith.constant 0 : i32
    %dma_start3A_31 = tpu.memref_slice %arg4[%add3A_26, %dma_start3A_30] : memref<1280x256xi32, #tpu.memory_space<hbm>> -> memref<1x256xi32, #tpu.memory_space<hbm>>
    %dma_start3A_32 = tpu.memref_squeeze %dma_start3A_31 : memref<1x256xi32, #tpu.memory_space<hbm>> -> memref<256xi32, #tpu.memory_space<hbm>>
    %dma_start3A_33 = arith.constant 0 : i32
    %dma_start3A_34 = tpu.memref_slice %arg8[%dma_start3A, %dma_start3A_33] : memref<2x256xi32, #tpu.memory_space<vmem>> -> memref<1x256xi32, #tpu.memory_space<vmem>>
    %dma_start3A_35 = tpu.memref_squeeze %dma_start3A_34 : memref<1x256xi32, #tpu.memory_space<vmem>> -> memref<256xi32, #tpu.memory_space<vmem>>
    %dma_start3A_36 = arith.constant 0 : i32
    %dma_start3A_37 = tpu.memref_slice %arg4[%add3A_26, %dma_start3A_36] : memref<1280x256xi32, #tpu.memory_space<hbm>> -> memref<1x256xi32, #tpu.memory_space<hbm>>
    %dma_start3A_38 = tpu.memref_squeeze %dma_start3A_37 : memref<1x256xi32, #tpu.memory_space<hbm>> -> memref<256xi32, #tpu.memory_space<hbm>>
    tpu.enqueue_dma source(%dma_start3A_38 : memref<256xi32, #tpu.memory_space<hbm>>) target(%dma_start3A_35 : memref<256xi32, #tpu.memory_space<vmem>>) target_semaphore(%arg14 : memref<!tpu.dma_semaphore, #tpu.memory_space<semaphore_mem>>)
    %scan3A_39 = arith.constant 0 : i32
    %scan3A_40 = arith.constant 40 : i32
    %scan3A_41 = arith.addi %scan3A_39, %scan3A_40 : i32
    %scan3A_42 = arith.constant 1 : i32
    scf.for %scan3A_65 = %scan3A_39 to %scan3A_41 step %scan3A_42  : i32 {
      %mul3A_66 = arith.constant 1 : i32
      %mul3A_67 = arith.muli %scan3A_65, %mul3A_66 : i32
      %add3A_68 = arith.constant 0 : i32
      %add3A_69 = arith.addi %add3A_68, %mul3A_67 : i32
      %dma_wait3A = arith.constant 0 : i32
      %dma_wait3A_70 = arith.constant 1 : i32
      %dma_wait3A_71 = arith.constant 0 : i32
      %dma_wait3A_72 = tpu.memref_slice %arg8[%dma_wait3A_70, %dma_wait3A_71] : memref<2x256xi32, #tpu.memory_space<vmem>> -> memref<1x256xi32, #tpu.memory_space<vmem>>
      %dma_wait3A_73 = tpu.memref_squeeze %dma_wait3A_72 : memref<1x256xi32, #tpu.memory_space<vmem>> -> memref<256xi32, #tpu.memory_space<vmem>>
      %dma_wait3A_74 = arith.constant 0 : i32
      %dma_wait3A_75 = tpu.memref_slice %arg4[%dma_wait3A, %dma_wait3A_74] : memref<1280x256xi32, #tpu.memory_space<hbm>> -> memref<1x256xi32, #tpu.memory_space<hbm>>
      %dma_wait3A_76 = tpu.memref_squeeze %dma_wait3A_75 : memref<1x256xi32, #tpu.memory_space<hbm>> -> memref<256xi32, #tpu.memory_space<hbm>>
      %dma_wait3A_77 = arith.constant 0 : i32
      %dma_wait3A_78 = tpu.memref_slice %arg8[%dma_wait3A_70, %dma_wait3A_77] : memref<2x256xi32, #tpu.memory_space<vmem>> -> memref<1x256xi32, #tpu.memory_space<vmem>>
      %dma_wait3A_79 = tpu.memref_squeeze %dma_wait3A_78 : memref<1x256xi32, #tpu.memory_space<vmem>> -> memref<256xi32, #tpu.memory_space<vmem>>
      %dma_wait3A_80 = arith.constant 0 : i32
      %dma_wait3A_81 = tpu.memref_slice %arg4[%dma_wait3A, %dma_wait3A_80] : memref<1280x256xi32, #tpu.memory_space<hbm>> -> memref<1x256xi32, #tpu.memory_space<hbm>>
      %dma_wait3A_82 = tpu.memref_squeeze %dma_wait3A_81 : memref<1x256xi32, #tpu.memory_space<hbm>> -> memref<256xi32, #tpu.memory_space<hbm>>
      tpu.wait_dma2 semaphore(%arg14 : memref<!tpu.dma_semaphore, #tpu.memory_space<semaphore_mem>>) src(%dma_wait3A_82 : memref<256xi32, #tpu.memory_space<hbm>>) dst(%dma_wait3A_79 : memref<256xi32, #tpu.memory_space<vmem>>)
      %gt3A = arith.constant 0 : i32
      %gt3A_83 = arith.cmpi sgt, %add3A_69, %gt3A : i32
      %convert_element_type3A_84 = arith.extui %gt3A_83 : i1 to i32
      %cond3A_85 = arith.constant 0 : i32
      %cond3A_86 = arith.cmpi ne, %convert_element_type3A_84, %cond3A_85 : i32
      scf.if %cond3A_86 {
        %scan3A_134 = arith.constant 0 : i32
        %scan3A_135 = arith.constant 2 : i32
        %scan3A_136 = arith.addi %scan3A_134, %scan3A_135 : i32
        %scan3A_137 = arith.constant 1 : i32
        scf.for %scan3A_139 = %scan3A_134 to %scan3A_136 step %scan3A_137  : i32 {
          %mul3A_140 = arith.constant 1 : i32
          %mul3A_141 = arith.muli %scan3A_139, %mul3A_140 : i32
          %add3A_142 = arith.constant 0 : i32
          %add3A_143 = arith.addi %add3A_142, %mul3A_141 : i32
          %dma_wait3A_144 = arith.constant 1 : i32
          %dma_wait3A_145 = arith.constant 1 : i32
          %dma_wait3A_146 = arith.constant 0 : i32
          %dma_wait3A_147 = arith.constant 0 : i32
          %dma_wait3A_148 = tpu.memref_slice %arg11[%dma_wait3A_144, %add3A_143, %dma_wait3A_146, %dma_wait3A_147] : memref<2x2x128x80xf32, #tpu.memory_space<vmem>> -> memref<1x1x128x80xf32, #tpu.memory_space<vmem>>
          %dma_wait3A_149 = tpu.memref_squeeze %dma_wait3A_148 : memref<1x1x128x80xf32, #tpu.memory_space<vmem>> -> memref<128x80xf32, #tpu.memory_space<vmem>>
          %dma_wait3A_150 = arith.constant 0 : i32
          %dma_wait3A_151 = tpu.memref_slice %arg10[%dma_wait3A_145, %add3A_143, %dma_wait3A_150] : memref<2x2x128xi32, #tpu.memory_space<vmem>> -> memref<1x1x128xi32, #tpu.memory_space<vmem>>
          %dma_wait3A_152 = tpu.memref_squeeze %dma_wait3A_151 : memref<1x1x128xi32, #tpu.memory_space<vmem>> -> memref<128xi32, #tpu.memory_space<vmem>>
          %dma_wait3A_153 = arith.constant 0 : i32
          %dma_wait3A_154 = arith.constant 0 : i32
          %dma_wait3A_155 = tpu.memref_slice %arg7[%dma_wait3A_153, %dma_wait3A_154] : memref<10240x80xf32, #tpu.memory_space<vmem_shared>> -> memref<10240x80xf32, #tpu.memory_space<vmem_shared>>
          tpu.wait_indirect_dma semaphore(%arg18 : memref<!tpu.dma_semaphore, #tpu.memory_space<semaphore_mem>>) src(%dma_wait3A_149 : memref<128x80xf32, #tpu.memory_space<vmem>>) dst(%dma_wait3A_155 : memref<10240x80xf32, #tpu.memory_space<vmem_shared>>)
        }
        %scan3A_138 = arith.constant 2 : i32
      } else {
      }
      %scan3A_87 = arith.constant 0 : i32
      %scan3A_88 = arith.constant 8 : i32
      %scan3A_89 = arith.addi %scan3A_87, %scan3A_88 : i32
      %scan3A_90 = arith.constant 1 : i32
      scf.for %scan3A_134 = %scan3A_87 to %scan3A_89 step %scan3A_90  : i32 {
        %mul3A_135 = arith.constant 1 : i32
        %mul3A_136 = arith.muli %scan3A_134, %mul3A_135 : i32
        %add3A_137 = arith.constant 0 : i32
        %add3A_138 = arith.addi %add3A_137, %mul3A_136 : i32
        %mul3A_139 = arith.constant 16 : i32
        %mul3A_140 = arith.muli %add3A_138, %mul3A_139 : i32
        %add3A_141 = arith.constant 0 : i32
        %add3A_142 = arith.addi %add3A_141, %mul3A_140 : i32
        %get3A = arith.constant 1 : i32
        %get3A_143 = arith.index_cast %get3A : i32 to index
        %get3A_144 = arith.index_cast %add3A_142 : i32 to index
        %get3A_145 = tpu.vector_load %arg8[%get3A_143, %get3A_144] {strides = array<i32>} : memref<2x256xi32, #tpu.memory_space<vmem>>, vector<1x16xi32>,
        %get3A_146 = vector.shape_cast %get3A_145 : vector<1x16xi32> to vector<16xi32>
        %shift_right_logical3A = arith.constant 14 : i32
        %shift_right_logical3A_147 = vector.broadcast %shift_right_logical3A : i32 to vector<16xi32>
        %shift_right_logical3A_148 = arith.shrui %get3A_146, %shift_right_logical3A_147 : vector<16xi32>
        %mul3A_149 = arith.constant 16 : i32
        %mul3A_150 = arith.muli %add3A_138, %mul3A_149 : i32
        %swap3A = arith.constant 1 : i32
        %swap3A_151 = arith.constant 0 : i32
        %swap3A_152 = arith.index_cast %swap3A : i32 to index
        %swap3A_153 = arith.index_cast %swap3A_151 : i32 to index
        %swap3A_154 = arith.index_cast %mul3A_150 : i32 to index
        %swap3A_155 = tpu.vector_load %arg9[%swap3A_152, %swap3A_153, %swap3A_154] {strides = array<i32>} : memref<2x2x128xi32, #tpu.memory_space<vmem>>, vector<1x1x16xi32>,
        %swap3A_156 = vector.shape_cast %swap3A_155 : vector<1x1x16xi32> to vector<16xi32>
        %swap3A_157 = vector.shape_cast %shift_right_logical3A_148 : vector<16xi32> to vector<1x1x16xi32>
        tpu.vector_store %arg9[%swap3A_152, %swap3A_153, %swap3A_154], %swap3A_157 {strides = array<i32>} : memref<2x2x128xi32, #tpu.memory_space<vmem>>, vector<1x1x16xi32>,
        %and3A = arith.constant 16383 : i32
        %and3A_158 = vector.broadcast %and3A : i32 to vector<16xi32>
        %and3A_159 = arith.andi %get3A_146, %and3A_158 : vector<16xi32>
        %mul3A_160 = arith.constant 16 : i32
        %mul3A_161 = arith.muli %add3A_138, %mul3A_160 : i32
        %swap3A_162 = arith.constant 1 : i32
        %swap3A_163 = arith.constant 0 : i32
        %swap3A_164 = arith.index_cast %swap3A_162 : i32 to index
        %swap3A_165 = arith.index_cast %swap3A_163 : i32 to index
        %swap3A_166 = arith.index_cast %mul3A_161 : i32 to index
        %swap3A_167 = tpu.vector_load %arg10[%swap3A_164, %swap3A_165, %swap3A_166] {strides = array<i32>} : memref<2x2x128xi32, #tpu.memory_space<vmem>>, vector<1x1x16xi32>,
        %swap3A_168 = vector.shape_cast %swap3A_167 : vector<1x1x16xi32> to vector<16xi32>
        %swap3A_169 = vector.shape_cast %and3A_159 : vector<16xi32> to vector<1x1x16xi32>
        tpu.vector_store %arg10[%swap3A_164, %swap3A_165, %swap3A_166], %swap3A_169 {strides = array<i32>} : memref<2x2x128xi32, #tpu.memory_space<vmem>>, vector<1x1x16xi32>,
      }
      %scan3A_91 = arith.constant 8 : i32
      %scan3A_92 = arith.constant 0 : i32
      %scan3A_93 = arith.constant 8 : i32
      %scan3A_94 = arith.addi %scan3A_92, %scan3A_93 : i32
      %scan3A_95 = arith.constant 1 : i32
      scf.for %scan3A_134 = %scan3A_92 to %scan3A_94 step %scan3A_95  : i32 {
        %mul3A_135 = arith.constant 1 : i32
        %mul3A_136 = arith.muli %scan3A_134, %mul3A_135 : i32
        %add3A_137 = arith.constant 0 : i32
        %add3A_138 = arith.addi %add3A_137, %mul3A_136 : i32
        %mul3A_139 = arith.constant 16 : i32
        %mul3A_140 = arith.muli %add3A_138, %mul3A_139 : i32
        %add3A_141 = arith.constant 128 : i32
        %add3A_142 = arith.addi %add3A_141, %mul3A_140 : i32
        %get3A = arith.constant 1 : i32
        %get3A_143 = arith.index_cast %get3A : i32 to index
        %get3A_144 = arith.index_cast %add3A_142 : i32 to index
        %get3A_145 = tpu.vector_load %arg8[%get3A_143, %get3A_144] {strides = array<i32>} : memref<2x256xi32, #tpu.memory_space<vmem>>, vector<1x16xi32>,
        %get3A_146 = vector.shape_cast %get3A_145 : vector<1x16xi32> to vector<16xi32>
        %shift_right_logical3A = arith.constant 14 : i32
        %shift_right_logical3A_147 = vector.broadcast %shift_right_logical3A : i32 to vector<16xi32>
        %shift_right_logical3A_148 = arith.shrui %get3A_146, %shift_right_logical3A_147 : vector<16xi32>
        %mul3A_149 = arith.constant 16 : i32
        %mul3A_150 = arith.muli %add3A_138, %mul3A_149 : i32
        %swap3A = arith.constant 1 : i32
        %swap3A_151 = arith.constant 1 : i32
        %swap3A_152 = arith.index_cast %swap3A : i32 to index
        %swap3A_153 = arith.index_cast %swap3A_151 : i32 to index
        %swap3A_154 = arith.index_cast %mul3A_150 : i32 to index
        %swap3A_155 = tpu.vector_load %arg9[%swap3A_152, %swap3A_153, %swap3A_154] {strides = array<i32>} : memref<2x2x128xi32, #tpu.memory_space<vmem>>, vector<1x1x16xi32>,
        %swap3A_156 = vector.shape_cast %swap3A_155 : vector<1x1x16xi32> to vector<16xi32>
        %swap3A_157 = vector.shape_cast %shift_right_logical3A_148 : vector<16xi32> to vector<1x1x16xi32>
        tpu.vector_store %arg9[%swap3A_152, %swap3A_153, %swap3A_154], %swap3A_157 {strides = array<i32>} : memref<2x2x128xi32, #tpu.memory_space<vmem>>, vector<1x1x16xi32>,
        %and3A = arith.constant 16383 : i32
        %and3A_158 = vector.broadcast %and3A : i32 to vector<16xi32>
        %and3A_159 = arith.andi %get3A_146, %and3A_158 : vector<16xi32>
        %mul3A_160 = arith.constant 16 : i32
        %mul3A_161 = arith.muli %add3A_138, %mul3A_160 : i32
        %swap3A_162 = arith.constant 1 : i32
        %swap3A_163 = arith.constant 1 : i32
        %swap3A_164 = arith.index_cast %swap3A_162 : i32 to index
        %swap3A_165 = arith.index_cast %swap3A_163 : i32 to index
        %swap3A_166 = arith.index_cast %mul3A_161 : i32 to index
        %swap3A_167 = tpu.vector_load %arg10[%swap3A_164, %swap3A_165, %swap3A_166] {strides = array<i32>} : memref<2x2x128xi32, #tpu.memory_space<vmem>>, vector<1x1x16xi32>,
        %swap3A_168 = vector.shape_cast %swap3A_167 : vector<1x1x16xi32> to vector<16xi32>
        %swap3A_169 = vector.shape_cast %and3A_159 : vector<16xi32> to vector<1x1x16xi32>
        tpu.vector_store %arg10[%swap3A_164, %swap3A_165, %swap3A_166], %swap3A_169 {strides = array<i32>} : memref<2x2x128xi32, #tpu.memory_space<vmem>>, vector<1x1x16xi32>,
      }
      %scan3A_96 = arith.constant 8 : i32
      %lt3A = arith.constant 39 : i32
      %lt3A_97 = arith.cmpi slt, %add3A_69, %lt3A : i32
      %convert_element_type3A_98 = arith.extui %lt3A_97 : i1 to i32
      %cond3A_99 = arith.constant 0 : i32
      %cond3A_100 = arith.cmpi ne, %convert_element_type3A_98, %cond3A_99 : i32
      scf.if %cond3A_100 {
        %mul3A_134 = arith.constant 2 : i32
        %mul3A_135 = arith.muli %mul3A_134, %add3A_69 : i32
        %add3A_136 = arith.constant 0 : i32
        %add3A_137 = arith.addi %mul3A_135, %add3A_136 : i32
        %add3A_138 = arith.constant 2 : i32
        %add3A_139 = arith.addi %add3A_137, %add3A_138 : i32
        %add3A_140 = arith.addi %mul3A_9, %add3A_139 : i32
        %dma_start3A_141 = arith.constant 0 : i32
        %dma_start3A_142 = arith.constant 0 : i32
        %dma_start3A_143 = tpu.memref_slice %arg8[%dma_start3A_141, %dma_start3A_142] : memref<2x256xi32, #tpu.memory_space<vmem>> -> memref<1x256xi32, #tpu.memory_space<vmem>>
        %dma_start3A_144 = tpu.memref_squeeze %dma_start3A_143 : memref<1x256xi32, #tpu.memory_space<vmem>> -> memref<256xi32, #tpu.memory_space<vmem>>
        %dma_start3A_145 = arith.constant 0 : i32
        %dma_start3A_146 = tpu.memref_slice %arg4[%add3A_140, %dma_start3A_145] : memref<1280x256xi32, #tpu.memory_space<hbm>> -> memref<1x256xi32, #tpu.memory_space<hbm>>
        %dma_start3A_147 = tpu.memref_squeeze %dma_start3A_146 : memref<1x256xi32, #tpu.memory_space<hbm>> -> memref<256xi32, #tpu.memory_space<hbm>>
        %dma_start3A_148 = arith.constant 0 : i32
        %dma_start3A_149 = tpu.memref_slice %arg8[%dma_start3A_141, %dma_start3A_148] : memref<2x256xi32, #tpu.memory_space<vmem>> -> memref<1x256xi32, #tpu.memory_space<vmem>>
        %dma_start3A_150 = tpu.memref_squeeze %dma_start3A_149 : memref<1x256xi32, #tpu.memory_space<vmem>> -> memref<256xi32, #tpu.memory_space<vmem>>
        %dma_start3A_151 = arith.constant 0 : i32
        %dma_start3A_152 = tpu.memref_slice %arg4[%add3A_140, %dma_start3A_151] : memref<1280x256xi32, #tpu.memory_space<hbm>> -> memref<1x256xi32, #tpu.memory_space<hbm>>
        %dma_start3A_153 = tpu.memref_squeeze %dma_start3A_152 : memref<1x256xi32, #tpu.memory_space<hbm>> -> memref<256xi32, #tpu.memory_space<hbm>>
        tpu.enqueue_dma source(%dma_start3A_153 : memref<256xi32, #tpu.memory_space<hbm>>) target(%dma_start3A_150 : memref<256xi32, #tpu.memory_space<vmem>>) target_semaphore(%arg13 : memref<!tpu.dma_semaphore, #tpu.memory_space<semaphore_mem>>)
      } else {
      }
      %convert_element_type3A_101 = arith.extui %eq3A_0 : i1 to i32
      %cond3A_102 = arith.constant 0 : i32
      %cond3A_103 = arith.cmpi ne, %convert_element_type3A_101, %cond3A_102 : i32
      scf.if %cond3A_103 {
        %scan3A_134 = arith.constant 0 : i32
        %scan3A_135 = arith.constant 2 : i32
        %scan3A_136 = arith.addi %scan3A_134, %scan3A_135 : i32
        %scan3A_137 = arith.constant 1 : i32
        scf.for %scan3A_139 = %scan3A_134 to %scan3A_136 step %scan3A_137  : i32 {
          %mul3A_140 = arith.constant 1 : i32
          %mul3A_141 = arith.muli %scan3A_139, %mul3A_140 : i32
          %add3A_142 = arith.constant 0 : i32
          %add3A_143 = arith.addi %add3A_142, %mul3A_141 : i32
          %dma_start3A_144 = arith.constant 1 : i32
          %dma_start3A_145 = arith.constant 1 : i32
          %dma_start3A_146 = arith.constant 0 : i32
          %dma_start3A_147 = arith.constant 0 : i32
          %dma_start3A_148 = tpu.memref_slice %arg11[%dma_start3A_145, %add3A_143, %dma_start3A_146, %dma_start3A_147] : memref<2x2x128x80xf32, #tpu.memory_space<vmem>> -> memref<1x1x128x80xf32, #tpu.memory_space<vmem>>
          %dma_start3A_149 = tpu.memref_squeeze %dma_start3A_148 : memref<1x1x128x80xf32, #tpu.memory_space<vmem>> -> memref<128x80xf32, #tpu.memory_space<vmem>>
          %dma_start3A_150 = arith.constant 0 : i32
          %dma_start3A_151 = tpu.memref_slice %arg9[%dma_start3A_144, %add3A_143, %dma_start3A_150] : memref<2x2x128xi32, #tpu.memory_space<vmem>> -> memref<1x1x128xi32, #tpu.memory_space<vmem>>
          %dma_start3A_152 = tpu.memref_squeeze %dma_start3A_151 : memref<1x1x128xi32, #tpu.memory_space<vmem>> -> memref<128xi32, #tpu.memory_space<vmem>>
          %dma_start3A_153 = arith.constant 0 : i32
          %dma_start3A_154 = arith.constant 0 : i32
          %dma_start3A_155 = tpu.memref_slice %arg2[%dma_start3A_153, %dma_start3A_154] : memref<10000x80xf32, #tpu.memory_space<hbm>> -> memref<10000x80xf32, #tpu.memory_space<hbm>>
          tpu.enqueue_indirect_dma source(%dma_start3A_155 : memref<10000x80xf32, #tpu.memory_space<hbm>>) target(%dma_start3A_149 : memref<128x80xf32, #tpu.memory_space<vmem>>) offsets(%dma_start3A_152 : memref<128xi32, #tpu.memory_space<vmem>>) semaphore(%arg16 : memref<!tpu.dma_semaphore, #tpu.memory_space<semaphore_mem>>)
        }
        %scan3A_138 = arith.constant 2 : i32
      } else {
      }
      %not3A_104 = arith.constant true
      %not3A_105 = arith.xori %eq3A_0, %not3A_104 : i1
      %convert_element_type3A_106 = arith.extui %not3A_105 : i1 to i32
      %cond3A_107 = arith.constant 0 : i32
      %cond3A_108 = arith.cmpi ne, %convert_element_type3A_106, %cond3A_107 : i32
      scf.if %cond3A_108 {
        %scan3A_134 = arith.constant 0 : i32
        %scan3A_135 = arith.constant 2 : i32
        %scan3A_136 = arith.addi %scan3A_134, %scan3A_135 : i32
        %scan3A_137 = arith.constant 1 : i32
        scf.for %scan3A_139 = %scan3A_134 to %scan3A_136 step %scan3A_137  : i32 {
          %mul3A_140 = arith.constant 1 : i32
          %mul3A_141 = arith.muli %scan3A_139, %mul3A_140 : i32
          %add3A_142 = arith.constant 0 : i32
          %add3A_143 = arith.addi %add3A_142, %mul3A_141 : i32
          %dma_start3A_144 = arith.constant 1 : i32
          %dma_start3A_145 = arith.constant 1 : i32
          %dma_start3A_146 = arith.constant 0 : i32
          %dma_start3A_147 = arith.constant 0 : i32
          %dma_start3A_148 = tpu.memref_slice %arg11[%dma_start3A_145, %add3A_143, %dma_start3A_146, %dma_start3A_147] : memref<2x2x128x80xf32, #tpu.memory_space<vmem>> -> memref<1x1x128x80xf32, #tpu.memory_space<vmem>>
          %dma_start3A_149 = tpu.memref_squeeze %dma_start3A_148 : memref<1x1x128x80xf32, #tpu.memory_space<vmem>> -> memref<128x80xf32, #tpu.memory_space<vmem>>
          %dma_start3A_150 = arith.constant 0 : i32
          %dma_start3A_151 = tpu.memref_slice %arg9[%dma_start3A_144, %add3A_143, %dma_start3A_150] : memref<2x2x128xi32, #tpu.memory_space<vmem>> -> memref<1x1x128xi32, #tpu.memory_space<vmem>>
          %dma_start3A_152 = tpu.memref_squeeze %dma_start3A_151 : memref<1x1x128xi32, #tpu.memory_space<vmem>> -> memref<128xi32, #tpu.memory_space<vmem>>
          %dma_start3A_153 = arith.constant 0 : i32
          %dma_start3A_154 = arith.constant 0 : i32
          %dma_start3A_155 = tpu.memref_slice %arg3[%dma_start3A_153, %dma_start3A_154] : memref<10000x80xf32, #tpu.memory_space<hbm>> -> memref<10000x80xf32, #tpu.memory_space<hbm>>
          tpu.enqueue_indirect_dma source(%dma_start3A_155 : memref<10000x80xf32, #tpu.memory_space<hbm>>) target(%dma_start3A_149 : memref<128x80xf32, #tpu.memory_space<vmem>>) offsets(%dma_start3A_152 : memref<128xi32, #tpu.memory_space<vmem>>) semaphore(%arg16 : memref<!tpu.dma_semaphore, #tpu.memory_space<semaphore_mem>>)
        }
        %scan3A_138 = arith.constant 2 : i32
      } else {
      }
      %scan3A_109 = arith.constant 0 : i32
      %scan3A_110 = arith.constant 2 : i32
      %scan3A_111 = arith.addi %scan3A_109, %scan3A_110 : i32
      %scan3A_112 = arith.constant 1 : i32
      scf.for %scan3A_134 = %scan3A_109 to %scan3A_111 step %scan3A_112  : i32 {
        %mul3A_135 = arith.constant 1 : i32
        %mul3A_136 = arith.muli %scan3A_134, %mul3A_135 : i32
        %add3A_137 = arith.constant 0 : i32
        %add3A_138 = arith.addi %add3A_137, %mul3A_136 : i32
        %dma_wait3A_139 = arith.constant 0 : i32
        %dma_wait3A_140 = arith.constant 0 : i32
        %dma_wait3A_141 = arith.constant 0 : i32
        %dma_wait3A_142 = arith.constant 0 : i32
        %dma_wait3A_143 = tpu.memref_slice %arg11[%dma_wait3A_140, %add3A_138, %dma_wait3A_141, %dma_wait3A_142] : memref<2x2x128x80xf32, #tpu.memory_space<vmem>> -> memref<1x1x128x80xf32, #tpu.memory_space<vmem>>
        %dma_wait3A_144 = tpu.memref_squeeze %dma_wait3A_143 : memref<1x1x128x80xf32, #tpu.memory_space<vmem>> -> memref<128x80xf32, #tpu.memory_space<vmem>>
        %dma_wait3A_145 = arith.constant 0 : i32
        %dma_wait3A_146 = tpu.memref_slice %arg9[%dma_wait3A_139, %add3A_138, %dma_wait3A_145] : memref<2x2x128xi32, #tpu.memory_space<vmem>> -> memref<1x1x128xi32, #tpu.memory_space<vmem>>
        %dma_wait3A_147 = tpu.memref_squeeze %dma_wait3A_146 : memref<1x1x128xi32, #tpu.memory_space<vmem>> -> memref<128xi32, #tpu.memory_space<vmem>>
        %dma_wait3A_148 = arith.constant 0 : i32
        %dma_wait3A_149 = arith.constant 0 : i32
        %dma_wait3A_150 = tpu.memref_slice %arg2[%dma_wait3A_148, %dma_wait3A_149] : memref<10000x80xf32, #tpu.memory_space<hbm>> -> memref<10000x80xf32, #tpu.memory_space<hbm>>
        tpu.wait_indirect_dma semaphore(%arg15 : memref<!tpu.dma_semaphore, #tpu.memory_space<semaphore_mem>>) src(%dma_wait3A_150 : memref<10000x80xf32, #tpu.memory_space<hbm>>) dst(%dma_wait3A_144 : memref<128x80xf32, #tpu.memory_space<vmem>>)
      }
      %scan3A_113 = arith.constant 2 : i32
      %scan3A_114 = arith.constant 0 : i32
      %scan3A_115 = arith.constant 2 : i32
      %scan3A_116 = arith.addi %scan3A_114, %scan3A_115 : i32
      %scan3A_117 = arith.constant 1 : i32
      scf.for %scan3A_134 = %scan3A_114 to %scan3A_116 step %scan3A_117  : i32 {
        %mul3A_135 = arith.constant 1 : i32
        %mul3A_136 = arith.muli %scan3A_134, %mul3A_135 : i32
        %add3A_137 = arith.constant 0 : i32
        %add3A_138 = arith.addi %add3A_137, %mul3A_136 : i32
        %dma_start3A_139 = arith.constant 0 : i32
        %dma_start3A_140 = arith.constant 0 : i32
        %dma_start3A_141 = arith.constant 0 : i32
        %dma_start3A_142 = arith.constant 0 : i32
        %dma_start3A_143 = tpu.memref_slice %arg11[%dma_start3A_139, %add3A_138, %dma_start3A_141, %dma_start3A_142] : memref<2x2x128x80xf32, #tpu.memory_space<vmem>> -> memref<1x1x128x80xf32, #tpu.memory_space<vmem>>
        %dma_start3A_144 = tpu.memref_squeeze %dma_start3A_143 : memref<1x1x128x80xf32, #tpu.memory_space<vmem>> -> memref<128x80xf32, #tpu.memory_space<vmem>>
        %dma_start3A_145 = arith.constant 0 : i32
        %dma_start3A_146 = tpu.memref_slice %arg10[%dma_start3A_140, %add3A_138, %dma_start3A_145] : memref<2x2x128xi32, #tpu.memory_space<vmem>> -> memref<1x1x128xi32, #tpu.memory_space<vmem>>
        %dma_start3A_147 = tpu.memref_squeeze %dma_start3A_146 : memref<1x1x128xi32, #tpu.memory_space<vmem>> -> memref<128xi32, #tpu.memory_space<vmem>>
        %dma_start3A_148 = arith.constant 0 : i32
        %dma_start3A_149 = arith.constant 0 : i32
        %dma_start3A_150 = tpu.memref_slice %arg7[%dma_start3A_148, %dma_start3A_149] : memref<10240x80xf32, #tpu.memory_space<vmem_shared>> -> memref<10240x80xf32, #tpu.memory_space<vmem_shared>>
        tpu.enqueue_indirect_dma source(%dma_start3A_144 : memref<128x80xf32, #tpu.memory_space<vmem>>) target(%dma_start3A_150 : memref<10240x80xf32, #tpu.memory_space<vmem_shared>>) offsets(%dma_start3A_147 : memref<128xi32, #tpu.memory_space<vmem>>) semaphore(%arg17 : memref<!tpu.dma_semaphore, #tpu.memory_space<semaphore_mem>>) {add = true}
      }
      %scan3A_118 = arith.constant 2 : i32
      %lt3A_119 = arith.constant 39 : i32
      %lt3A_120 = arith.cmpi slt, %add3A_69, %lt3A_119 : i32
      %convert_element_type3A_121 = arith.extui %lt3A_120 : i1 to i32
      %cond3A_122 = arith.constant 0 : i32
      %cond3A_123 = arith.cmpi ne, %convert_element_type3A_121, %cond3A_122 : i32
      scf.if %cond3A_123 {
        %dma_wait3A_134 = arith.constant 0 : i32
        %dma_wait3A_135 = arith.constant 0 : i32
        %dma_wait3A_136 = arith.constant 0 : i32
        %dma_wait3A_137 = tpu.memref_slice %arg8[%dma_wait3A_135, %dma_wait3A_136] : memref<2x256xi32, #tpu.memory_space<vmem>> -> memref<1x256xi32, #tpu.memory_space<vmem>>
        %dma_wait3A_138 = tpu.memref_squeeze %dma_wait3A_137 : memref<1x256xi32, #tpu.memory_space<vmem>> -> memref<256xi32, #tpu.memory_space<vmem>>
        %dma_wait3A_139 = arith.constant 0 : i32
        %dma_wait3A_140 = tpu.memref_slice %arg4[%dma_wait3A_134, %dma_wait3A_139] : memref<1280x256xi32, #tpu.memory_space<hbm>> -> memref<1x256xi32, #tpu.memory_space<hbm>>
        %dma_wait3A_141 = tpu.memref_squeeze %dma_wait3A_140 : memref<1x256xi32, #tpu.memory_space<hbm>> -> memref<256xi32, #tpu.memory_space<hbm>>
        %dma_wait3A_142 = arith.constant 0 : i32
        %dma_wait3A_143 = tpu.memref_slice %arg8[%dma_wait3A_135, %dma_wait3A_142] : memref<2x256xi32, #tpu.memory_space<vmem>> -> memref<1x256xi32, #tpu.memory_space<vmem>>
        %dma_wait3A_144 = tpu.memref_squeeze %dma_wait3A_143 : memref<1x256xi32, #tpu.memory_space<vmem>> -> memref<256xi32, #tpu.memory_space<vmem>>
        %dma_wait3A_145 = arith.constant 0 : i32
        %dma_wait3A_146 = tpu.memref_slice %arg4[%dma_wait3A_134, %dma_wait3A_145] : memref<1280x256xi32, #tpu.memory_space<hbm>> -> memref<1x256xi32, #tpu.memory_space<hbm>>
        %dma_wait3A_147 = tpu.memref_squeeze %dma_wait3A_146 : memref<1x256xi32, #tpu.memory_space<hbm>> -> memref<256xi32, #tpu.memory_space<hbm>>
        tpu.wait_dma2 semaphore(%arg13 : memref<!tpu.dma_semaphore, #tpu.memory_space<semaphore_mem>>) src(%dma_wait3A_147 : memref<256xi32, #tpu.memory_space<hbm>>) dst(%dma_wait3A_144 : memref<256xi32, #tpu.memory_space<vmem>>)
        %scan3A_148 = arith.constant 0 : i32
        %scan3A_149 = arith.constant 2 : i32
        %scan3A_150 = arith.addi %scan3A_148, %scan3A_149 : i32
        %scan3A_151 = arith.constant 1 : i32
        scf.for %scan3A_191 = %scan3A_148 to %scan3A_150 step %scan3A_151  : i32 {
          %mul3A_192 = arith.constant 1 : i32
          %mul3A_193 = arith.muli %scan3A_191, %mul3A_192 : i32
          %add3A_194 = arith.constant 0 : i32
          %add3A_195 = arith.addi %add3A_194, %mul3A_193 : i32
          %dma_wait3A_196 = arith.constant 0 : i32
          %dma_wait3A_197 = arith.constant 0 : i32
          %dma_wait3A_198 = arith.constant 0 : i32
          %dma_wait3A_199 = arith.constant 0 : i32
          %dma_wait3A_200 = tpu.memref_slice %arg11[%dma_wait3A_196, %add3A_195, %dma_wait3A_198, %dma_wait3A_199] : memref<2x2x128x80xf32, #tpu.memory_space<vmem>> -> memref<1x1x128x80xf32, #tpu.memory_space<vmem>>
          %dma_wait3A_201 = tpu.memref_squeeze %dma_wait3A_200 : memref<1x1x128x80xf32, #tpu.memory_space<vmem>> -> memref<128x80xf32, #tpu.memory_space<vmem>>
          %dma_wait3A_202 = arith.constant 0 : i32
          %dma_wait3A_203 = tpu.memref_slice %arg10[%dma_wait3A_197, %add3A_195, %dma_wait3A_202] : memref<2x2x128xi32, #tpu.memory_space<vmem>> -> memref<1x1x128xi32, #tpu.memory_space<vmem>>
          %dma_wait3A_204 = tpu.memref_squeeze %dma_wait3A_203 : memref<1x1x128xi32, #tpu.memory_space<vmem>> -> memref<128xi32, #tpu.memory_space<vmem>>
          %dma_wait3A_205 = arith.constant 0 : i32
          %dma_wait3A_206 = arith.constant 0 : i32
          %dma_wait3A_207 = tpu.memref_slice %arg7[%dma_wait3A_205, %dma_wait3A_206] : memref<10240x80xf32, #tpu.memory_space<vmem_shared>> -> memref<10240x80xf32, #tpu.memory_space<vmem_shared>>
          tpu.wait_indirect_dma semaphore(%arg17 : memref<!tpu.dma_semaphore, #tpu.memory_space<semaphore_mem>>) src(%dma_wait3A_201 : memref<128x80xf32, #tpu.memory_space<vmem>>) dst(%dma_wait3A_207 : memref<10240x80xf32, #tpu.memory_space<vmem_shared>>)
        }
        %scan3A_152 = arith.constant 2 : i32
        %scan3A_153 = arith.constant 0 : i32
        %scan3A_154 = arith.constant 8 : i32
        %scan3A_155 = arith.addi %scan3A_153, %scan3A_154 : i32
        %scan3A_156 = arith.constant 1 : i32
        scf.for %scan3A_191 = %scan3A_153 to %scan3A_155 step %scan3A_156  : i32 {
          %mul3A_192 = arith.constant 1 : i32
          %mul3A_193 = arith.muli %scan3A_191, %mul3A_192 : i32
          %add3A_194 = arith.constant 0 : i32
          %add3A_195 = arith.addi %add3A_194, %mul3A_193 : i32
          %mul3A_196 = arith.constant 16 : i32
          %mul3A_197 = arith.muli %add3A_195, %mul3A_196 : i32
          %add3A_198 = arith.constant 0 : i32
          %add3A_199 = arith.addi %add3A_198, %mul3A_197 : i32
          %get3A = arith.constant 0 : i32
          %get3A_200 = arith.index_cast %get3A : i32 to index
          %get3A_201 = arith.index_cast %add3A_199 : i32 to index
          %get3A_202 = tpu.vector_load %arg8[%get3A_200, %get3A_201] {strides = array<i32>} : memref<2x256xi32, #tpu.memory_space<vmem>>, vector<1x16xi32>,
          %get3A_203 = vector.shape_cast %get3A_202 : vector<1x16xi32> to vector<16xi32>
          %shift_right_logical3A = arith.constant 14 : i32
          %shift_right_logical3A_204 = vector.broadcast %shift_right_logical3A : i32 to vector<16xi32>
          %shift_right_logical3A_205 = arith.shrui %get3A_203, %shift_right_logical3A_204 : vector<16xi32>
          %mul3A_206 = arith.constant 16 : i32
          %mul3A_207 = arith.muli %add3A_195, %mul3A_206 : i32
          %swap3A = arith.constant 0 : i32
          %swap3A_208 = arith.constant 0 : i32
          %swap3A_209 = arith.index_cast %swap3A : i32 to index
          %swap3A_210 = arith.index_cast %swap3A_208 : i32 to index
          %swap3A_211 = arith.index_cast %mul3A_207 : i32 to index
          %swap3A_212 = tpu.vector_load %arg9[%swap3A_209, %swap3A_210, %swap3A_211] {strides = array<i32>} : memref<2x2x128xi32, #tpu.memory_space<vmem>>, vector<1x1x16xi32>,
          %swap3A_213 = vector.shape_cast %swap3A_212 : vector<1x1x16xi32> to vector<16xi32>
          %swap3A_214 = vector.shape_cast %shift_right_logical3A_205 : vector<16xi32> to vector<1x1x16xi32>
          tpu.vector_store %arg9[%swap3A_209, %swap3A_210, %swap3A_211], %swap3A_214 {strides = array<i32>} : memref<2x2x128xi32, #tpu.memory_space<vmem>>, vector<1x1x16xi32>,
          %and3A = arith.constant 16383 : i32
          %and3A_215 = vector.broadcast %and3A : i32 to vector<16xi32>
          %and3A_216 = arith.andi %get3A_203, %and3A_215 : vector<16xi32>
          %mul3A_217 = arith.constant 16 : i32
          %mul3A_218 = arith.muli %add3A_195, %mul3A_217 : i32
          %swap3A_219 = arith.constant 0 : i32
          %swap3A_220 = arith.constant 0 : i32
          %swap3A_221 = arith.index_cast %swap3A_219 : i32 to index
          %swap3A_222 = arith.index_cast %swap3A_220 : i32 to index
          %swap3A_223 = arith.index_cast %mul3A_218 : i32 to index
          %swap3A_224 = tpu.vector_load %arg10[%swap3A_221, %swap3A_222, %swap3A_223] {strides = array<i32>} : memref<2x2x128xi32, #tpu.memory_space<vmem>>, vector<1x1x16xi32>,
          %swap3A_225 = vector.shape_cast %swap3A_224 : vector<1x1x16xi32> to vector<16xi32>
          %swap3A_226 = vector.shape_cast %and3A_216 : vector<16xi32> to vector<1x1x16xi32>
          tpu.vector_store %arg10[%swap3A_221, %swap3A_222, %swap3A_223], %swap3A_226 {strides = array<i32>} : memref<2x2x128xi32, #tpu.memory_space<vmem>>, vector<1x1x16xi32>,
        }
        %scan3A_157 = arith.constant 8 : i32
        %scan3A_158 = arith.constant 0 : i32
        %scan3A_159 = arith.constant 8 : i32
        %scan3A_160 = arith.addi %scan3A_158, %scan3A_159 : i32
        %scan3A_161 = arith.constant 1 : i32
        scf.for %scan3A_191 = %scan3A_158 to %scan3A_160 step %scan3A_161  : i32 {
          %mul3A_192 = arith.constant 1 : i32
          %mul3A_193 = arith.muli %scan3A_191, %mul3A_192 : i32
          %add3A_194 = arith.constant 0 : i32
          %add3A_195 = arith.addi %add3A_194, %mul3A_193 : i32
          %mul3A_196 = arith.constant 16 : i32
          %mul3A_197 = arith.muli %add3A_195, %mul3A_196 : i32
          %add3A_198 = arith.constant 128 : i32
          %add3A_199 = arith.addi %add3A_198, %mul3A_197 : i32
          %get3A = arith.constant 0 : i32
          %get3A_200 = arith.index_cast %get3A : i32 to index
          %get3A_201 = arith.index_cast %add3A_199 : i32 to index
          %get3A_202 = tpu.vector_load %arg8[%get3A_200, %get3A_201] {strides = array<i32>} : memref<2x256xi32, #tpu.memory_space<vmem>>, vector<1x16xi32>,
          %get3A_203 = vector.shape_cast %get3A_202 : vector<1x16xi32> to vector<16xi32>
          %shift_right_logical3A = arith.constant 14 : i32
          %shift_right_logical3A_204 = vector.broadcast %shift_right_logical3A : i32 to vector<16xi32>
          %shift_right_logical3A_205 = arith.shrui %get3A_203, %shift_right_logical3A_204 : vector<16xi32>
          %mul3A_206 = arith.constant 16 : i32
          %mul3A_207 = arith.muli %add3A_195, %mul3A_206 : i32
          %swap3A = arith.constant 0 : i32
          %swap3A_208 = arith.constant 1 : i32
          %swap3A_209 = arith.index_cast %swap3A : i32 to index
          %swap3A_210 = arith.index_cast %swap3A_208 : i32 to index
          %swap3A_211 = arith.index_cast %mul3A_207 : i32 to index
          %swap3A_212 = tpu.vector_load %arg9[%swap3A_209, %swap3A_210, %swap3A_211] {strides = array<i32>} : memref<2x2x128xi32, #tpu.memory_space<vmem>>, vector<1x1x16xi32>,
          %swap3A_213 = vector.shape_cast %swap3A_212 : vector<1x1x16xi32> to vector<16xi32>
          %swap3A_214 = vector.shape_cast %shift_right_logical3A_205 : vector<16xi32> to vector<1x1x16xi32>
          tpu.vector_store %arg9[%swap3A_209, %swap3A_210, %swap3A_211], %swap3A_214 {strides = array<i32>} : memref<2x2x128xi32, #tpu.memory_space<vmem>>, vector<1x1x16xi32>,
          %and3A = arith.constant 16383 : i32
          %and3A_215 = vector.broadcast %and3A : i32 to vector<16xi32>
          %and3A_216 = arith.andi %get3A_203, %and3A_215 : vector<16xi32>
          %mul3A_217 = arith.constant 16 : i32
          %mul3A_218 = arith.muli %add3A_195, %mul3A_217 : i32
          %swap3A_219 = arith.constant 0 : i32
          %swap3A_220 = arith.constant 1 : i32
          %swap3A_221 = arith.index_cast %swap3A_219 : i32 to index
          %swap3A_222 = arith.index_cast %swap3A_220 : i32 to index
          %swap3A_223 = arith.index_cast %mul3A_218 : i32 to index
          %swap3A_224 = tpu.vector_load %arg10[%swap3A_221, %swap3A_222, %swap3A_223] {strides = array<i32>} : memref<2x2x128xi32, #tpu.memory_space<vmem>>, vector<1x1x16xi32>,
          %swap3A_225 = vector.shape_cast %swap3A_224 : vector<1x1x16xi32> to vector<16xi32>
          %swap3A_226 = vector.shape_cast %and3A_216 : vector<16xi32> to vector<1x1x16xi32>
          tpu.vector_store %arg10[%swap3A_221, %swap3A_222, %swap3A_223], %swap3A_226 {strides = array<i32>} : memref<2x2x128xi32, #tpu.memory_space<vmem>>, vector<1x1x16xi32>,
        }
        %scan3A_162 = arith.constant 8 : i32
        %mul3A_163 = arith.constant 2 : i32
        %mul3A_164 = arith.muli %mul3A_163, %add3A_69 : i32
        %add3A_165 = arith.constant 1 : i32
        %add3A_166 = arith.addi %mul3A_164, %add3A_165 : i32
        %add3A_167 = arith.constant 2 : i32
        %add3A_168 = arith.addi %add3A_166, %add3A_167 : i32
        %add3A_169 = arith.addi %mul3A_9, %add3A_168 : i32
        %dma_start3A_170 = arith.constant 1 : i32
        %dma_start3A_171 = arith.constant 0 : i32
        %dma_start3A_172 = tpu.memref_slice %arg8[%dma_start3A_170, %dma_start3A_171] : memref<2x256xi32, #tpu.memory_space<vmem>> -> memref<1x256xi32, #tpu.memory_space<vmem>>
        %dma_start3A_173 = tpu.memref_squeeze %dma_start3A_172 : memref<1x256xi32, #tpu.memory_space<vmem>> -> memref<256xi32, #tpu.memory_space<vmem>>
        %dma_start3A_174 = arith.constant 0 : i32
        %dma_start3A_175 = tpu.memref_slice %arg4[%add3A_169, %dma_start3A_174] : memref<1280x256xi32, #tpu.memory_space<hbm>> -> memref<1x256xi32, #tpu.memory_space<hbm>>
        %dma_start3A_176 = tpu.memref_squeeze %dma_start3A_175 : memref<1x256xi32, #tpu.memory_space<hbm>> -> memref<256xi32, #tpu.memory_space<hbm>>
        %dma_start3A_177 = arith.constant 0 : i32
        %dma_start3A_178 = tpu.memref_slice %arg8[%dma_start3A_170, %dma_start3A_177] : memref<2x256xi32, #tpu.memory_space<vmem>> -> memref<1x256xi32, #tpu.memory_space<vmem>>
        %dma_start3A_179 = tpu.memref_squeeze %dma_start3A_178 : memref<1x256xi32, #tpu.memory_space<vmem>> -> memref<256xi32, #tpu.memory_space<vmem>>
        %dma_start3A_180 = arith.constant 0 : i32
        %dma_start3A_181 = tpu.memref_slice %arg4[%add3A_169, %dma_start3A_180] : memref<1280x256xi32, #tpu.memory_space<hbm>> -> memref<1x256xi32, #tpu.memory_space<hbm>>
        %dma_start3A_182 = tpu.memref_squeeze %dma_start3A_181 : memref<1x256xi32, #tpu.memory_space<hbm>> -> memref<256xi32, #tpu.memory_space<hbm>>
        tpu.enqueue_dma source(%dma_start3A_182 : memref<256xi32, #tpu.memory_space<hbm>>) target(%dma_start3A_179 : memref<256xi32, #tpu.memory_space<vmem>>) target_semaphore(%arg14 : memref<!tpu.dma_semaphore, #tpu.memory_space<semaphore_mem>>)
        %convert_element_type3A_183 = arith.extui %eq3A_0 : i1 to i32
        %cond3A_184 = arith.constant 0 : i32
        %cond3A_185 = arith.cmpi ne, %convert_element_type3A_183, %cond3A_184 : i32
        scf.if %cond3A_185 {
          %scan3A_191 = arith.constant 0 : i32
          %scan3A_192 = arith.constant 2 : i32
          %scan3A_193 = arith.addi %scan3A_191, %scan3A_192 : i32
          %scan3A_194 = arith.constant 1 : i32
          scf.for %scan3A_196 = %scan3A_191 to %scan3A_193 step %scan3A_194  : i32 {
            %mul3A_197 = arith.constant 1 : i32
            %mul3A_198 = arith.muli %scan3A_196, %mul3A_197 : i32
            %add3A_199 = arith.constant 0 : i32
            %add3A_200 = arith.addi %add3A_199, %mul3A_198 : i32
            %dma_start3A_201 = arith.constant 0 : i32
            %dma_start3A_202 = arith.constant 0 : i32
            %dma_start3A_203 = arith.constant 0 : i32
            %dma_start3A_204 = arith.constant 0 : i32
            %dma_start3A_205 = tpu.memref_slice %arg11[%dma_start3A_202, %add3A_200, %dma_start3A_203, %dma_start3A_204] : memref<2x2x128x80xf32, #tpu.memory_space<vmem>> -> memref<1x1x128x80xf32, #tpu.memory_space<vmem>>
            %dma_start3A_206 = tpu.memref_squeeze %dma_start3A_205 : memref<1x1x128x80xf32, #tpu.memory_space<vmem>> -> memref<128x80xf32, #tpu.memory_space<vmem>>
            %dma_start3A_207 = arith.constant 0 : i32
            %dma_start3A_208 = tpu.memref_slice %arg9[%dma_start3A_201, %add3A_200, %dma_start3A_207] : memref<2x2x128xi32, #tpu.memory_space<vmem>> -> memref<1x1x128xi32, #tpu.memory_space<vmem>>
            %dma_start3A_209 = tpu.memref_squeeze %dma_start3A_208 : memref<1x1x128xi32, #tpu.memory_space<vmem>> -> memref<128xi32, #tpu.memory_space<vmem>>
            %dma_start3A_210 = arith.constant 0 : i32
            %dma_start3A_211 = arith.constant 0 : i32
            %dma_start3A_212 = tpu.memref_slice %arg2[%dma_start3A_210, %dma_start3A_211] : memref<10000x80xf32, #tpu.memory_space<hbm>> -> memref<10000x80xf32, #tpu.memory_space<hbm>>
            tpu.enqueue_indirect_dma source(%dma_start3A_212 : memref<10000x80xf32, #tpu.memory_space<hbm>>) target(%dma_start3A_206 : memref<128x80xf32, #tpu.memory_space<vmem>>) offsets(%dma_start3A_209 : memref<128xi32, #tpu.memory_space<vmem>>) semaphore(%arg15 : memref<!tpu.dma_semaphore, #tpu.memory_space<semaphore_mem>>)
          }
          %scan3A_195 = arith.constant 2 : i32
        } else {
        }
        %not3A_186 = arith.constant true
        %not3A_187 = arith.xori %eq3A_0, %not3A_186 : i1
        %convert_element_type3A_188 = arith.extui %not3A_187 : i1 to i32
        %cond3A_189 = arith.constant 0 : i32
        %cond3A_190 = arith.cmpi ne, %convert_element_type3A_188, %cond3A_189 : i32
        scf.if %cond3A_190 {
          %scan3A_191 = arith.constant 0 : i32
          %scan3A_192 = arith.constant 2 : i32
          %scan3A_193 = arith.addi %scan3A_191, %scan3A_192 : i32
          %scan3A_194 = arith.constant 1 : i32
          scf.for %scan3A_196 = %scan3A_191 to %scan3A_193 step %scan3A_194  : i32 {
            %mul3A_197 = arith.constant 1 : i32
            %mul3A_198 = arith.muli %scan3A_196, %mul3A_197 : i32
            %add3A_199 = arith.constant 0 : i32
            %add3A_200 = arith.addi %add3A_199, %mul3A_198 : i32
            %dma_start3A_201 = arith.constant 0 : i32
            %dma_start3A_202 = arith.constant 0 : i32
            %dma_start3A_203 = arith.constant 0 : i32
            %dma_start3A_204 = arith.constant 0 : i32
            %dma_start3A_205 = tpu.memref_slice %arg11[%dma_start3A_202, %add3A_200, %dma_start3A_203, %dma_start3A_204] : memref<2x2x128x80xf32, #tpu.memory_space<vmem>> -> memref<1x1x128x80xf32, #tpu.memory_space<vmem>>
            %dma_start3A_206 = tpu.memref_squeeze %dma_start3A_205 : memref<1x1x128x80xf32, #tpu.memory_space<vmem>> -> memref<128x80xf32, #tpu.memory_space<vmem>>
            %dma_start3A_207 = arith.constant 0 : i32
            %dma_start3A_208 = tpu.memref_slice %arg9[%dma_start3A_201, %add3A_200, %dma_start3A_207] : memref<2x2x128xi32, #tpu.memory_space<vmem>> -> memref<1x1x128xi32, #tpu.memory_space<vmem>>
            %dma_start3A_209 = tpu.memref_squeeze %dma_start3A_208 : memref<1x1x128xi32, #tpu.memory_space<vmem>> -> memref<128xi32, #tpu.memory_space<vmem>>
            %dma_start3A_210 = arith.constant 0 : i32
            %dma_start3A_211 = arith.constant 0 : i32
            %dma_start3A_212 = tpu.memref_slice %arg3[%dma_start3A_210, %dma_start3A_211] : memref<10000x80xf32, #tpu.memory_space<hbm>> -> memref<10000x80xf32, #tpu.memory_space<hbm>>
            tpu.enqueue_indirect_dma source(%dma_start3A_212 : memref<10000x80xf32, #tpu.memory_space<hbm>>) target(%dma_start3A_206 : memref<128x80xf32, #tpu.memory_space<vmem>>) offsets(%dma_start3A_209 : memref<128xi32, #tpu.memory_space<vmem>>) semaphore(%arg15 : memref<!tpu.dma_semaphore, #tpu.memory_space<semaphore_mem>>)
          }
          %scan3A_195 = arith.constant 2 : i32
        } else {
        }
      } else {
      }
      %scan3A_124 = arith.constant 0 : i32
      %scan3A_125 = arith.constant 2 : i32
      %scan3A_126 = arith.addi %scan3A_124, %scan3A_125 : i32
      %scan3A_127 = arith.constant 1 : i32
      scf.for %scan3A_134 = %scan3A_124 to %scan3A_126 step %scan3A_127  : i32 {
        %mul3A_135 = arith.constant 1 : i32
        %mul3A_136 = arith.muli %scan3A_134, %mul3A_135 : i32
        %add3A_137 = arith.constant 0 : i32
        %add3A_138 = arith.addi %add3A_137, %mul3A_136 : i32
        %dma_wait3A_139 = arith.constant 1 : i32
        %dma_wait3A_140 = arith.constant 1 : i32
        %dma_wait3A_141 = arith.constant 0 : i32
        %dma_wait3A_142 = arith.constant 0 : i32
        %dma_wait3A_143 = tpu.memref_slice %arg11[%dma_wait3A_140, %add3A_138, %dma_wait3A_141, %dma_wait3A_142] : memref<2x2x128x80xf32, #tpu.memory_space<vmem>> -> memref<1x1x128x80xf32, #tpu.memory_space<vmem>>
        %dma_wait3A_144 = tpu.memref_squeeze %dma_wait3A_143 : memref<1x1x128x80xf32, #tpu.memory_space<vmem>> -> memref<128x80xf32, #tpu.memory_space<vmem>>
        %dma_wait3A_145 = arith.constant 0 : i32
        %dma_wait3A_146 = tpu.memref_slice %arg9[%dma_wait3A_139, %add3A_138, %dma_wait3A_145] : memref<2x2x128xi32, #tpu.memory_space<vmem>> -> memref<1x1x128xi32, #tpu.memory_space<vmem>>
        %dma_wait3A_147 = tpu.memref_squeeze %dma_wait3A_146 : memref<1x1x128xi32, #tpu.memory_space<vmem>> -> memref<128xi32, #tpu.memory_space<vmem>>
        %dma_wait3A_148 = arith.constant 0 : i32
        %dma_wait3A_149 = arith.constant 0 : i32
        %dma_wait3A_150 = tpu.memref_slice %arg2[%dma_wait3A_148, %dma_wait3A_149] : memref<10000x80xf32, #tpu.memory_space<hbm>> -> memref<10000x80xf32, #tpu.memory_space<hbm>>
        tpu.wait_indirect_dma semaphore(%arg16 : memref<!tpu.dma_semaphore, #tpu.memory_space<semaphore_mem>>) src(%dma_wait3A_150 : memref<10000x80xf32, #tpu.memory_space<hbm>>) dst(%dma_wait3A_144 : memref<128x80xf32, #tpu.memory_space<vmem>>)
      }
      %scan3A_128 = arith.constant 2 : i32
      %scan3A_129 = arith.constant 0 : i32
      %scan3A_130 = arith.constant 2 : i32
      %scan3A_131 = arith.addi %scan3A_129, %scan3A_130 : i32
      %scan3A_132 = arith.constant 1 : i32
      scf.for %scan3A_134 = %scan3A_129 to %scan3A_131 step %scan3A_132  : i32 {
        %mul3A_135 = arith.constant 1 : i32
        %mul3A_136 = arith.muli %scan3A_134, %mul3A_135 : i32
        %add3A_137 = arith.constant 0 : i32
        %add3A_138 = arith.addi %add3A_137, %mul3A_136 : i32
        %dma_start3A_139 = arith.constant 1 : i32
        %dma_start3A_140 = arith.constant 1 : i32
        %dma_start3A_141 = arith.constant 0 : i32
        %dma_start3A_142 = arith.constant 0 : i32
        %dma_start3A_143 = tpu.memref_slice %arg11[%dma_start3A_139, %add3A_138, %dma_start3A_141, %dma_start3A_142] : memref<2x2x128x80xf32, #tpu.memory_space<vmem>> -> memref<1x1x128x80xf32, #tpu.memory_space<vmem>>
        %dma_start3A_144 = tpu.memref_squeeze %dma_start3A_143 : memref<1x1x128x80xf32, #tpu.memory_space<vmem>> -> memref<128x80xf32, #tpu.memory_space<vmem>>
        %dma_start3A_145 = arith.constant 0 : i32
        %dma_start3A_146 = tpu.memref_slice %arg10[%dma_start3A_140, %add3A_138, %dma_start3A_145] : memref<2x2x128xi32, #tpu.memory_space<vmem>> -> memref<1x1x128xi32, #tpu.memory_space<vmem>>
        %dma_start3A_147 = tpu.memref_squeeze %dma_start3A_146 : memref<1x1x128xi32, #tpu.memory_space<vmem>> -> memref<128xi32, #tpu.memory_space<vmem>>
        %dma_start3A_148 = arith.constant 0 : i32
        %dma_start3A_149 = arith.constant 0 : i32
        %dma_start3A_150 = tpu.memref_slice %arg7[%dma_start3A_148, %dma_start3A_149] : memref<10240x80xf32, #tpu.memory_space<vmem_shared>> -> memref<10240x80xf32, #tpu.memory_space<vmem_shared>>
        tpu.enqueue_indirect_dma source(%dma_start3A_144 : memref<128x80xf32, #tpu.memory_space<vmem>>) target(%dma_start3A_150 : memref<10240x80xf32, #tpu.memory_space<vmem_shared>>) offsets(%dma_start3A_147 : memref<128xi32, #tpu.memory_space<vmem>>) semaphore(%arg18 : memref<!tpu.dma_semaphore, #tpu.memory_space<semaphore_mem>>) {add = true}
      }
      %scan3A_133 = arith.constant 2 : i32
    }
    %scan3A_43 = arith.constant 40 : i32
    %scan3A_44 = arith.constant 0 : i32
    %scan3A_45 = arith.constant 2 : i32
    %scan3A_46 = arith.addi %scan3A_44, %scan3A_45 : i32
    %scan3A_47 = arith.constant 1 : i32
    scf.for %scan3A_65 = %scan3A_44 to %scan3A_46 step %scan3A_47  : i32 {
      %mul3A_66 = arith.constant 1 : i32
      %mul3A_67 = arith.muli %scan3A_65, %mul3A_66 : i32
      %add3A_68 = arith.constant 0 : i32
      %add3A_69 = arith.addi %add3A_68, %mul3A_67 : i32
      %dma_wait3A = arith.constant 0 : i32
      %dma_wait3A_70 = arith.constant 0 : i32
      %dma_wait3A_71 = arith.constant 0 : i32
      %dma_wait3A_72 = arith.constant 0 : i32
      %dma_wait3A_73 = tpu.memref_slice %arg11[%dma_wait3A, %add3A_69, %dma_wait3A_71, %dma_wait3A_72] : memref<2x2x128x80xf32, #tpu.memory_space<vmem>> -> memref<1x1x128x80xf32, #tpu.memory_space<vmem>>
      %dma_wait3A_74 = tpu.memref_squeeze %dma_wait3A_73 : memref<1x1x128x80xf32, #tpu.memory_space<vmem>> -> memref<128x80xf32, #tpu.memory_space<vmem>>
      %dma_wait3A_75 = arith.constant 0 : i32
      %dma_wait3A_76 = tpu.memref_slice %arg10[%dma_wait3A_70, %add3A_69, %dma_wait3A_75] : memref<2x2x128xi32, #tpu.memory_space<vmem>> -> memref<1x1x128xi32, #tpu.memory_space<vmem>>
      %dma_wait3A_77 = tpu.memref_squeeze %dma_wait3A_76 : memref<1x1x128xi32, #tpu.memory_space<vmem>> -> memref<128xi32, #tpu.memory_space<vmem>>
      %dma_wait3A_78 = arith.constant 0 : i32
      %dma_wait3A_79 = arith.constant 0 : i32
      %dma_wait3A_80 = tpu.memref_slice %arg7[%dma_wait3A_78, %dma_wait3A_79] : memref<10240x80xf32, #tpu.memory_space<vmem_shared>> -> memref<10240x80xf32, #tpu.memory_space<vmem_shared>>
      tpu.wait_indirect_dma semaphore(%arg17 : memref<!tpu.dma_semaphore, #tpu.memory_space<semaphore_mem>>) src(%dma_wait3A_74 : memref<128x80xf32, #tpu.memory_space<vmem>>) dst(%dma_wait3A_80 : memref<10240x80xf32, #tpu.memory_space<vmem_shared>>)
    }
    %scan3A_48 = arith.constant 2 : i32
    %scan3A_49 = arith.constant 0 : i32
    %scan3A_50 = arith.constant 2 : i32
    %scan3A_51 = arith.addi %scan3A_49, %scan3A_50 : i32
    %scan3A_52 = arith.constant 1 : i32
    scf.for %scan3A_65 = %scan3A_49 to %scan3A_51 step %scan3A_52  : i32 {
      %mul3A_66 = arith.constant 1 : i32
      %mul3A_67 = arith.muli %scan3A_65, %mul3A_66 : i32
      %add3A_68 = arith.constant 0 : i32
      %add3A_69 = arith.addi %add3A_68, %mul3A_67 : i32
      %dma_wait3A = arith.constant 1 : i32
      %dma_wait3A_70 = arith.constant 1 : i32
      %dma_wait3A_71 = arith.constant 0 : i32
      %dma_wait3A_72 = arith.constant 0 : i32
      %dma_wait3A_73 = tpu.memref_slice %arg11[%dma_wait3A, %add3A_69, %dma_wait3A_71, %dma_wait3A_72] : memref<2x2x128x80xf32, #tpu.memory_space<vmem>> -> memref<1x1x128x80xf32, #tpu.memory_space<vmem>>
      %dma_wait3A_74 = tpu.memref_squeeze %dma_wait3A_73 : memref<1x1x128x80xf32, #tpu.memory_space<vmem>> -> memref<128x80xf32, #tpu.memory_space<vmem>>
      %dma_wait3A_75 = arith.constant 0 : i32
      %dma_wait3A_76 = tpu.memref_slice %arg10[%dma_wait3A_70, %add3A_69, %dma_wait3A_75] : memref<2x2x128xi32, #tpu.memory_space<vmem>> -> memref<1x1x128xi32, #tpu.memory_space<vmem>>
      %dma_wait3A_77 = tpu.memref_squeeze %dma_wait3A_76 : memref<1x1x128xi32, #tpu.memory_space<vmem>> -> memref<128xi32, #tpu.memory_space<vmem>>
      %dma_wait3A_78 = arith.constant 0 : i32
      %dma_wait3A_79 = arith.constant 0 : i32
      %dma_wait3A_80 = tpu.memref_slice %arg7[%dma_wait3A_78, %dma_wait3A_79] : memref<10240x80xf32, #tpu.memory_space<vmem_shared>> -> memref<10240x80xf32, #tpu.memory_space<vmem_shared>>
      tpu.wait_indirect_dma semaphore(%arg18 : memref<!tpu.dma_semaphore, #tpu.memory_space<semaphore_mem>>) src(%dma_wait3A_74 : memref<128x80xf32, #tpu.memory_space<vmem>>) dst(%dma_wait3A_80 : memref<10240x80xf32, #tpu.memory_space<vmem_shared>>)
    }
    %scan3A_53 = arith.constant 2 : i32
    %barrier3A_54 = arith.constant 0 : index
    tpu.barrier barrier_id(%barrier3A_54)
    %mul3A_55 = arith.constant 624 : i32
    %mul3A_56 = arith.muli %arg1, %mul3A_55 : i32
    %convert_element_type3A_57 = arith.extui %eq3A_0 : i1 to i32
    %cond3A_58 = arith.constant 0 : i32
    %cond3A_59 = arith.cmpi ne, %convert_element_type3A_57, %cond3A_58 : i32
    scf.if %cond3A_59 {
      "tpu.region"() ({
        %run_scoped3A_70 = tpu.sem_alloc : memref<!tpu.dma_semaphore, #tpu.memory_space<semaphore_mem>>
        %dma_start3A_71 = arith.constant 0 : i32
        %dma_start3A_72 = tpu.memref_slice %arg5[%mul3A_56, %dma_start3A_71] : memref<10000x80xf32, #tpu.memory_space<hbm>> -> memref<624x80xf32, #tpu.memory_space<hbm>>
        %dma_start3A_73 = arith.constant 0 : i32
        %dma_start3A_74 = tpu.memref_slice %arg7[%mul3A_56, %dma_start3A_73] : memref<10240x80xf32, #tpu.memory_space<vmem_shared>> -> memref<624x80xf32, #tpu.memory_space<vmem_shared>>
        tpu.enqueue_dma source(%dma_start3A_74 : memref<624x80xf32, #tpu.memory_space<vmem_shared>>) target(%dma_start3A_72 : memref<624x80xf32, #tpu.memory_space<hbm>>) target_semaphore(%run_scoped3A_70 : memref<!tpu.dma_semaphore, #tpu.memory_space<semaphore_mem>>)
        %dma_wait3A = arith.constant 0 : i32
        %dma_wait3A_75 = tpu.memref_slice %arg5[%mul3A_56, %dma_wait3A] : memref<10000x80xf32, #tpu.memory_space<hbm>> -> memref<624x80xf32, #tpu.memory_space<hbm>>
        %dma_wait3A_76 = arith.constant 0 : i32
        %dma_wait3A_77 = tpu.memref_slice %arg7[%mul3A_56, %dma_wait3A_76] : memref<10240x80xf32, #tpu.memory_space<vmem_shared>> -> memref<624x80xf32, #tpu.memory_space<vmem_shared>>
        tpu.wait_dma2 semaphore(%run_scoped3A_70 : memref<!tpu.dma_semaphore, #tpu.memory_space<semaphore_mem>>) src(%dma_wait3A_77 : memref<624x80xf32, #tpu.memory_space<vmem_shared>>) dst(%dma_wait3A_75 : memref<624x80xf32, #tpu.memory_space<hbm>>)
        tpu.yield
      }) : () -> ()
      %eq3A_65 = arith.constant 15 : i32
      %eq3A_66 = arith.cmpi eq, %arg1, %eq3A_65 : i32
      %convert_element_type3A_67 = arith.extui %eq3A_66 : i1 to i32
      %cond3A_68 = arith.constant 0 : i32
      %cond3A_69 = arith.cmpi ne, %convert_element_type3A_67, %cond3A_68 : i32
      scf.if %cond3A_69 {
        "tpu.region"() ({
          %run_scoped3A_70 = tpu.sem_alloc : memref<!tpu.dma_semaphore, #tpu.memory_space<semaphore_mem>>
          %dma_start3A_71 = arith.constant 9984 : i32
          %dma_start3A_72 = arith.constant 0 : i32
          %dma_start3A_73 = tpu.memref_slice %arg5[%dma_start3A_71, %dma_start3A_72] : memref<10000x80xf32, #tpu.memory_space<hbm>> -> memref<16x80xf32, #tpu.memory_space<hbm>>
          %dma_start3A_74 = arith.constant 9984 : i32
          %dma_start3A_75 = arith.constant 0 : i32
          %dma_start3A_76 = tpu.memref_slice %arg7[%dma_start3A_74, %dma_start3A_75] : memref<10240x80xf32, #tpu.memory_space<vmem_shared>> -> memref<16x80xf32, #tpu.memory_space<vmem_shared>>
          tpu.enqueue_dma source(%dma_start3A_76 : memref<16x80xf32, #tpu.memory_space<vmem_shared>>) target(%dma_start3A_73 : memref<16x80xf32, #tpu.memory_space<hbm>>) target_semaphore(%run_scoped3A_70 : memref<!tpu.dma_semaphore, #tpu.memory_space<semaphore_mem>>)
          %dma_wait3A = arith.constant 9984 : i32
          %dma_wait3A_77 = arith.constant 0 : i32
          %dma_wait3A_78 = tpu.memref_slice %arg5[%dma_wait3A, %dma_wait3A_77] : memref<10000x80xf32, #tpu.memory_space<hbm>> -> memref<16x80xf32, #tpu.memory_space<hbm>>
          %dma_wait3A_79 = arith.constant 9984 : i32
          %dma_wait3A_80 = arith.constant 0 : i32
          %dma_wait3A_81 = tpu.memref_slice %arg7[%dma_wait3A_79, %dma_wait3A_80] : memref<10240x80xf32, #tpu.memory_space<vmem_shared>> -> memref<16x80xf32, #tpu.memory_space<vmem_shared>>
          tpu.wait_dma2 semaphore(%run_scoped3A_70 : memref<!tpu.dma_semaphore, #tpu.memory_space<semaphore_mem>>) src(%dma_wait3A_81 : memref<16x80xf32, #tpu.memory_space<vmem_shared>>) dst(%dma_wait3A_78 : memref<16x80xf32, #tpu.memory_space<hbm>>)
          tpu.yield
        }) : () -> ()
      } else {
      }
    } else {
    }
    %not3A_60 = arith.constant true
    %not3A_61 = arith.xori %eq3A_0, %not3A_60 : i1
    %convert_element_type3A_62 = arith.extui %not3A_61 : i1 to i32
    %cond3A_63 = arith.constant 0 : i32
    %cond3A_64 = arith.cmpi ne, %convert_element_type3A_62, %cond3A_63 : i32
    scf.if %cond3A_64 {
      "tpu.region"() ({
        %run_scoped3A_70 = tpu.sem_alloc : memref<!tpu.dma_semaphore, #tpu.memory_space<semaphore_mem>>
        %dma_start3A_71 = arith.constant 0 : i32
        %dma_start3A_72 = tpu.memref_slice %arg6[%mul3A_56, %dma_start3A_71] : memref<10000x80xf32, #tpu.memory_space<hbm>> -> memref<624x80xf32, #tpu.memory_space<hbm>>
        %dma_start3A_73 = arith.constant 0 : i32
        %dma_start3A_74 = tpu.memref_slice %arg7[%mul3A_56, %dma_start3A_73] : memref<10240x80xf32, #tpu.memory_space<vmem_shared>> -> memref<624x80xf32, #tpu.memory_space<vmem_shared>>
        tpu.enqueue_dma source(%dma_start3A_74 : memref<624x80xf32, #tpu.memory_space<vmem_shared>>) target(%dma_start3A_72 : memref<624x80xf32, #tpu.memory_space<hbm>>) target_semaphore(%run_scoped3A_70 : memref<!tpu.dma_semaphore, #tpu.memory_space<semaphore_mem>>)
        %dma_wait3A = arith.constant 0 : i32
        %dma_wait3A_75 = tpu.memref_slice %arg6[%mul3A_56, %dma_wait3A] : memref<10000x80xf32, #tpu.memory_space<hbm>> -> memref<624x80xf32, #tpu.memory_space<hbm>>
        %dma_wait3A_76 = arith.constant 0 : i32
        %dma_wait3A_77 = tpu.memref_slice %arg7[%mul3A_56, %dma_wait3A_76] : memref<10240x80xf32, #tpu.memory_space<vmem_shared>> -> memref<624x80xf32, #tpu.memory_space<vmem_shared>>
        tpu.wait_dma2 semaphore(%run_scoped3A_70 : memref<!tpu.dma_semaphore, #tpu.memory_space<semaphore_mem>>) src(%dma_wait3A_77 : memref<624x80xf32, #tpu.memory_space<vmem_shared>>) dst(%dma_wait3A_75 : memref<624x80xf32, #tpu.memory_space<hbm>>)
        tpu.yield
      }) : () -> ()
      %eq3A_65 = arith.constant 15 : i32
      %eq3A_66 = arith.cmpi eq, %arg1, %eq3A_65 : i32
      %convert_element_type3A_67 = arith.extui %eq3A_66 : i1 to i32
      %cond3A_68 = arith.constant 0 : i32
      %cond3A_69 = arith.cmpi ne, %convert_element_type3A_67, %cond3A_68 : i32
      scf.if %cond3A_69 {
        "tpu.region"() ({
          %run_scoped3A_70 = tpu.sem_alloc : memref<!tpu.dma_semaphore, #tpu.memory_space<semaphore_mem>>
          %dma_start3A_71 = arith.constant 9984 : i32
          %dma_start3A_72 = arith.constant 0 : i32
          %dma_start3A_73 = tpu.memref_slice %arg6[%dma_start3A_71, %dma_start3A_72] : memref<10000x80xf32, #tpu.memory_space<hbm>> -> memref<16x80xf32, #tpu.memory_space<hbm>>
          %dma_start3A_74 = arith.constant 9984 : i32
          %dma_start3A_75 = arith.constant 0 : i32
          %dma_start3A_76 = tpu.memref_slice %arg7[%dma_start3A_74, %dma_start3A_75] : memref<10240x80xf32, #tpu.memory_space<vmem_shared>> -> memref<16x80xf32, #tpu.memory_space<vmem_shared>>
          tpu.enqueue_dma source(%dma_start3A_76 : memref<16x80xf32, #tpu.memory_space<vmem_shared>>) target(%dma_start3A_73 : memref<16x80xf32, #tpu.memory_space<hbm>>) target_semaphore(%run_scoped3A_70 : memref<!tpu.dma_semaphore, #tpu.memory_space<semaphore_mem>>)
          %dma_wait3A = arith.constant 9984 : i32
          %dma_wait3A_77 = arith.constant 0 : i32
          %dma_wait3A_78 = tpu.memref_slice %arg6[%dma_wait3A, %dma_wait3A_77] : memref<10000x80xf32, #tpu.memory_space<hbm>> -> memref<16x80xf32, #tpu.memory_space<hbm>>
          %dma_wait3A_79 = arith.constant 9984 : i32
          %dma_wait3A_80 = arith.constant 0 : i32
          %dma_wait3A_81 = tpu.memref_slice %arg7[%dma_wait3A_79, %dma_wait3A_80] : memref<10240x80xf32, #tpu.memory_space<vmem_shared>> -> memref<16x80xf32, #tpu.memory_space<vmem_shared>>
          tpu.wait_dma2 semaphore(%run_scoped3A_70 : memref<!tpu.dma_semaphore, #tpu.memory_space<semaphore_mem>>) src(%dma_wait3A_81 : memref<16x80xf32, #tpu.memory_space<vmem_shared>>) dst(%dma_wait3A_78 : memref<16x80xf32, #tpu.memory_space<hbm>>)
          tpu.yield
        }) : () -> ()
      } else {
      }
    } else {
    }
    return
  }
}

module attributes {stable_mosaic.version = 14 : i64} {
  func.func @_tc_body(%arg0: i32, %arg1: memref<1000x128xf32, #tpu.memory_space<vmem>>, %arg2: memref<1000x80xf32, #tpu.memory_space<vmem>>, %arg3: memref<1000x80xf32, #tpu.memory_space<vmem>>, %arg4: memref<256x128xf32, #tpu.memory_space<vmem>>, %arg5: memref<1x128xf32, #tpu.memory_space<vmem>>, %arg6: memref<1000x128xf32, #tpu.memory_space<vmem>>) attributes {dimension_semantics = [#tpu.dimension_semantics<arbitrary>], iteration_bounds = array<i64: 10>, scalar_prefetch = 0 : i64, scratch_operands = 0 : i64, tpu.core_type = #tpu.core_type<tc>, window_params = [{transform_indices = @transform_0, window_bounds = array<i64: 1000, 128>}, {transform_indices = @transform_1, window_bounds = array<i64: 1000, 80>}, {transform_indices = @transform_2, window_bounds = array<i64: 1000, 80>}, {pipeline_mode = #tpu.pipeline_mode<synchronous>, transform_indices = @transform_3, window_bounds = array<i64: 256, 128>}, {pipeline_mode = #tpu.pipeline_mode<synchronous>, transform_indices = @transform_4, window_bounds = array<i64: 1, 128>}, {transform_indices = @transform_5, window_bounds = array<i64: 1000, 128>}]} {
    %get3A = arith.constant 0 : index
    %get3A_0 = arith.constant 64 : index
    %get3A_1 = vector.load %arg2[%get3A, %get3A_0] : memref<1000x80xf32, #tpu.memory_space<vmem>>, vector<1000x1xf32>
    %max3A = arith.constant 1.000000e+00 : f32
    %max3A_2 = vector.broadcast %max3A : f32 to vector<1000x1xf32>
    %max3A_3 = arith.maximumf %get3A_1, %max3A_2 : vector<1000x1xf32>
    %div3A = arith.constant 1.000000e+00 : f32
    %div3A_4 = vector.broadcast %div3A : f32 to vector<1000x1xf32>
    %div3A_5 = arith.divf %div3A_4, %max3A_3 : vector<1000x1xf32>
    %get3A_6 = arith.constant 0 : index
    %get3A_7 = arith.constant 0 : index
    %get3A_8 = vector.load %arg1[%get3A_6, %get3A_7] : memref<1000x128xf32, #tpu.memory_space<vmem>>, vector<1000x128xf32>
    %get3A_9 = arith.constant 0 : index
    %get3A_10 = arith.constant 0 : index
    %get3A_11 = vector.load %arg4[%get3A_9, %get3A_10] : memref<256x128xf32, #tpu.memory_space<vmem>>, vector<128x128xf32>
    %dot_general3A = arith.constant dense<0.000000e+00> : vector<1000x128xf32>
    %dot_general3A_12 = tpu.matmul %get3A_8, %get3A_11, %dot_general3A {dimension_numbers = #tpu.dot_dimension_numbers<[1], [0], [0], [1], [0, 0, 1, 1], [], []>, transpose_lhs_hint = false} : vector<1000x128xf32>, vector<128x128xf32>, vector<1000x128xf32> -> vector<1000x128xf32>
    %get3A_13 = arith.constant 0 : index
    %get3A_14 = arith.constant 0 : index
    %get3A_15 = vector.load %arg2[%get3A_13, %get3A_14] : memref<1000x80xf32, #tpu.memory_space<vmem>>, vector<1000x64xf32>
    %mul3A = vector.broadcast %div3A_5 : vector<1000x1xf32> to vector<1000x64xf32>
    %mul3A_16 = arith.mulf %get3A_15, %mul3A : vector<1000x64xf32>
    %get3A_17 = arith.constant 128 : index
    %get3A_18 = arith.constant 0 : index
    %get3A_19 = vector.load %arg4[%get3A_17, %get3A_18] : memref<256x128xf32, #tpu.memory_space<vmem>>, vector<64x128xf32>
    %dot_general3A_20 = arith.constant dense<0.000000e+00> : vector<1000x128xf32>
    %dot_general3A_21 = tpu.matmul %mul3A_16, %get3A_19, %dot_general3A_20 {dimension_numbers = #tpu.dot_dimension_numbers<[1], [0], [0], [1], [0, 0, 1, 1], [], []>, transpose_lhs_hint = false} : vector<1000x64xf32>, vector<64x128xf32>, vector<1000x128xf32> -> vector<1000x128xf32>
    %add3A = arith.addf %dot_general3A_12, %dot_general3A_21 : vector<1000x128xf32>
    %get3A_22 = arith.constant 0 : index
    %get3A_23 = arith.constant 0 : index
    %get3A_24 = vector.load %arg3[%get3A_22, %get3A_23] : memref<1000x80xf32, #tpu.memory_space<vmem>>, vector<1000x64xf32>
    %mul3A_25 = vector.broadcast %div3A_5 : vector<1000x1xf32> to vector<1000x64xf32>
    %mul3A_26 = arith.mulf %get3A_24, %mul3A_25 : vector<1000x64xf32>
    %get3A_27 = arith.constant 192 : index
    %get3A_28 = arith.constant 0 : index
    %get3A_29 = vector.load %arg4[%get3A_27, %get3A_28] : memref<256x128xf32, #tpu.memory_space<vmem>>, vector<64x128xf32>
    %dot_general3A_30 = arith.constant dense<0.000000e+00> : vector<1000x128xf32>
    %dot_general3A_31 = tpu.matmul %mul3A_26, %get3A_29, %dot_general3A_30 {dimension_numbers = #tpu.dot_dimension_numbers<[1], [0], [0], [1], [0, 0, 1, 1], [], []>, transpose_lhs_hint = false} : vector<1000x64xf32>, vector<64x128xf32>, vector<1000x128xf32> -> vector<1000x128xf32>
    %add3A_32 = arith.addf %add3A, %dot_general3A_31 : vector<1000x128xf32>
    %get3A_33 = arith.constant 0 : index
    %get3A_34 = arith.constant 0 : index
    %get3A_35 = vector.load %arg5[%get3A_33, %get3A_34] : memref<1x128xf32, #tpu.memory_space<vmem>>, vector<1x128xf32>
    %add3A_36 = vector.broadcast %get3A_35 : vector<1x128xf32> to vector<1000x128xf32>
    %add3A_37 = arith.addf %add3A_32, %add3A_36 : vector<1000x128xf32>
    %max3A_38 = arith.constant 0.000000e+00 : f32
    %max3A_39 = vector.broadcast %max3A_38 : f32 to vector<1000x128xf32>
    %max3A_40 = arith.maximumf %add3A_37, %max3A_39 : vector<1000x128xf32>
    %swap3A = arith.constant 0 : index
    %swap3A_41 = arith.constant 0 : index
    %swap3A_42 = vector.load %arg6[%swap3A, %swap3A_41] : memref<1000x128xf32, #tpu.memory_space<vmem>>, vector<1000x128xf32>
    tpu.vector_store %arg6[%swap3A, %swap3A_41], %max3A_40 {strides = array<i32>} : memref<1000x128xf32, #tpu.memory_space<vmem>>, vector<1000x128xf32>,
    return
  }
  func.func @transform_0(%arg0: i32) -> (i32, i32) {
    %c0_i32 = arith.constant 0 : i32
    %c0_i32_0 = arith.constant 0 : i32
    return %arg0, %c0_i32 : i32, i32
  }
  func.func @transform_1(%arg0: i32) -> (i32, i32) {
    %c0_i32 = arith.constant 0 : i32
    %c0_i32_0 = arith.constant 0 : i32
    return %arg0, %c0_i32 : i32, i32
  }
  func.func @transform_2(%arg0: i32) -> (i32, i32) {
    %c0_i32 = arith.constant 0 : i32
    %c0_i32_0 = arith.constant 0 : i32
    return %arg0, %c0_i32 : i32, i32
  }
  func.func @transform_3(%arg0: i32) -> (i32, i32) {
    %c0_i32 = arith.constant 0 : i32
    %c0_i32_0 = arith.constant 0 : i32
    %c0_i32_1 = arith.constant 0 : i32
    return %c0_i32, %c0_i32_0 : i32, i32
  }
  func.func @transform_4(%arg0: i32) -> (i32, i32) {
    %c0_i32 = arith.constant 0 : i32
    %c0_i32_0 = arith.constant 0 : i32
    %c0_i32_1 = arith.constant 0 : i32
    return %c0_i32, %c0_i32_0 : i32, i32
  }
  func.func @transform_5(%arg0: i32) -> (i32, i32) {
    %c0_i32 = arith.constant 0 : i32
    %c0_i32_0 = arith.constant 0 : i32
    return %arg0, %c0_i32 : i32, i32
  }
}

</mosaic_0001>

<sc_bundles>
// kernel: kernel.4.cloned.1.call-start
scs
__scs_entry_jumppad:
0x0: {  	(pc) =	sbr.rel $0x88, $3  }
0x1: {  	(tag) =	ssettag $0x0;
	lr =	simm.s32 $0x1  }
0x2: {  	[smem:$0x3F9D] =	sst lr;
	_ =	strace $0xD0000000  }
0x3: {  	_ = 	snop  }
0x4: {  	_ = 	snop  }
0x5: {  	_ = 	snop  }
0x6: {  	_ = 	snop  }
0x7: {  	_ = 	snop  }
__scs_overlays_trampoline_lowered:
0x8: {  	[smem:$0x3FAC] =	sst s0  }
0x9: {  	[smem:$0x3FAD] =	sst s1  }
0xa: {  	[smem:$0x3FAE] =	sst s2  }
0xb: {  	[smem:$0x3FAF] =	sst s3  }
0xc: {  	[smem:$0x3FB0] =	sst s4  }
0xd: {  	[smem:$0x3FB1] =	sst s5  }
0xe: {  	[smem:$0x3FB2] =	sst s6  }
0xf: {  	[smem:$0x3FB3] =	sst s7  }
0x10: {  	[smem:$0x3FB4] =	sst s8  }
0x11: {  	[smem:$0x3FB5] =	sst s9;
	s0 =	simm.s32 @!p0 $0x0  }
0x12: {  	s1 =	sld [smem:$0x3F9B];
	s0 =	simm.s32 @p0 $0x1  }
0x13: {  	[smem:$0x3FB6] =	sst s0;
	s0 =	simm.s32 @!p1 $0x0  }
0x14: {  	s2 =	sld [smem:$0x3F9A];
	s0 =	simm.s32 @p1 $0x1  }
0x15: {  	[smem:$0x3FB7] =	sst s0;
	s0 =	simm.s32 @!p2 $0x0  }
0x16: {  	s3 =	sld [smem:$0x3FDB];
	s0 =	simm.s32 @p2 $0x1  }
0x17: {  	s4 =	simm.s32 $0x1BF5;
	[smem:$0x3FB9] =	sst s0  }
0x18: {  	s0 =	sld [smem:$0x3F9C];
	_ =	swait.ge [sflag:s4], $0x0  }
0x19: {  	s7 =	sld [smem:$0x3F9D]  }
0x1a: {  	s8 =	sadd.s32 $0xFFFFE003, lr  }
0x1b: {  	s9 =	sadd.s32 $0xFFFFFEF7, lr;
	s5 =	simm.s32 $0xFFFFFFFF;
	p2 =	slt.u32 s8, $0xFFFFF086  }
0x1c: {  	p1 =	slt.u32 s9, $0xF7A;
	s5 =	simm.s32 @!p2 $0x0  }
0x1d: {  	s5 =	simm.s32 @p1 $0x1;
	p0 =	seq.s32 s7, s2  }
0x1e: {  	s7 =	smul.u32 @!p0 $0xF7A, s2;
	p2 =	seq.s32 @!p0 s5, $0x0  }
0x1f: {  	s9 =	smul.u32 $0xF7A, s1;
	s8 =	simm.s32 @!p0 $0x1BF5;
	p2 =	por !p2, p0  }
0x20: {  	[sflag:s8] =	ssyncset.s32 @!p0 $0xFFFFF086;
	s6 =	sadd.s32 @!p0 s3, s7;
	s7 =	simm.s32 @!p0 $0x108  }
0x21: {  	s3 =	sadd.s32 s3, s9;
	s6 =	sadd.s32 @!p0 $0x88, s6;
	s7 =	simm.s32 @p2 $0x1082  }
0x22: {  	[simem:s7], [sflag:s8] =	dma.local @!p0 [hbm:s6], $0xF7A  }
0x23: {  	s9 =	sor.u32 $0xD0000000, s2;
	s6 =	simm.s32 $0x108;
	_ =	swait.ge @!p0 [sflag:s8], $0x0  }
0x24: {  	s3 =	sadd.s32 $0x88, s3;
	s6 =	simm.s32 @!p1 $0x1082;
	[sflag:s4] =	ssyncset.s32 $0xFFFFF086  }
0x25: {  	[simem:s6], [sflag:s4] =	dma.local [hbm:s3], $0xF7A  }
0x26: {  	[smem:$0x3F9D] =	sst s1;
	(tag) =	ssettag s2;
	_ =	strace s9  }
0x27: {  	s1 =	sld [smem:$0x3FAD]  }
0x28: {  	s2 =	sld [smem:$0x3FAE]  }
0x29: {  	s4 =	sld [smem:$0x3FB0]  }
0x2a: {  	p0 =	seq.s32 s5, $0x0;
	s5 =	sld [smem:$0x3FB1]  }
0x2b: {  	s6 =	sld [smem:$0x3FB2]  }
0x2c: {  	s7 =	sld [smem:$0x3FB3]  }
0x2d: {  	s3 =	simm.s32 $0x108;
	s8 =	sld [smem:$0x3FB4]  }
0x2e: {  	s3 =	simm.s32 @!p0 $0x1082;
	s9 =	sld [smem:$0x3FB5]  }
0x2f: {  	lr =	sadd.s32 s0, s3;
	s0 =	sld [smem:$0x3FAC]  }
0x30: {  	s3 =	sld [smem:$0x3FAF]  }
0x31: {  	[smem:$0x3FB8] =	sst s10  }
0x32: {  	s10 =	sld [smem:$0x3FB6];
	_ =	sdelay $0x3  }
0x33: {  	p0 =	seq.s32 s10, $0x1;
	s10 =	sld [smem:$0x3FB8];
	_ =	sdelay $0x3  }
0x34: {  	[smem:$0x3FB8] =	sst s10  }
0x35: {  	s10 =	sld [smem:$0x3FB7];
	_ =	sdelay $0x3  }
0x36: {  	p1 =	seq.s32 s10, $0x1;
	s10 =	sld [smem:$0x3FB8];
	_ =	sdelay $0x3  }
0x37: {  	[smem:$0x3FB8] =	sst s10  }
0x38: {  	s10 =	sld [smem:$0x3FB9]  }
0x39: {  	_ = 	snop;
	(pc) =	sbr.ind lr, $3  }
0x3a: {  	_ = 	snop  }
0x3b: {  	_ = 	snop  }
0x3c: {  	p2 =	seq.s32 s10, $0x1;
	s10 =	sld [smem:$0x3FB8]  }
0x3d: {  	_ =	shalt  }
0x3e: {  	_ =	shalt  }
0x3f: {  	_ =	shalt  }
0x40: {  	_ =	shalt  }
0x41: {  	_ =	shalt  }
0x42: {  	_ =	shalt  }
0x43: {  	_ =	shalt  }
0x44: {  	_ =	shalt  }
0x45: {  	_ =	shalt  }
0x46: {  	_ =	shalt  }
0x47: {  	_ =	shalt  }
0x48: {  	_ =	shalt  }
0x49: {  	_ =	shalt  }
0x4a: {  	_ =	shalt  }
0x4b: {  	_ =	shalt  }
0x4c: {  	_ =	shalt  }
0x4d: {  	_ =	shalt  }
0x4e: {  	_ =	shalt  }
0x4f: {  	_ =	shalt  }
0x50: {  	_ =	shalt  }
0x51: {  	_ =	shalt  }
0x52: {  	_ =	shalt  }
0x53: {  	_ =	shalt  }
0x54: {  	_ =	shalt  }
0x55: {  	_ =	shalt  }
0x56: {  	_ =	shalt  }
0x57: {  	_ =	shalt  }
0x58: {  	_ =	shalt  }
0x59: {  	_ =	shalt  }
0x5a: {  	_ =	shalt  }
0x5b: {  	_ =	shalt  }
0x5c: {  	_ =	shalt  }
0x5d: {  	_ =	shalt  }
0x5e: {  	_ =	shalt  }
0x5f: {  	_ =	shalt  }
0x60: {  	_ =	shalt  }
0x61: {  	_ =	shalt  }
0x62: {  	_ =	shalt  }
0x63: {  	_ =	shalt  }
0x64: {  	_ =	shalt  }
0x65: {  	_ =	shalt  }
0x66: {  	_ =	shalt  }
0x67: {  	_ =	shalt  }
0x68: {  	_ =	shalt  }
0x69: {  	_ =	shalt  }
0x6a: {  	_ =	shalt  }
0x6b: {  	_ =	shalt  }
0x6c: {  	_ =	shalt  }
0x6d: {  	_ =	shalt  }
0x6e: {  	_ =	shalt  }
0x6f: {  	_ =	shalt  }
0x70: {  	_ =	shalt  }
0x71: {  	_ =	shalt  }
0x72: {  	_ =	shalt  }
0x73: {  	_ =	shalt  }
0x74: {  	_ =	shalt  }
0x75: {  	_ =	shalt  }
0x76: {  	_ =	shalt  }
0x77: {  	_ =	shalt  }
0x78: {  	_ =	shalt  }
0x79: {  	_ =	shalt  }
0x7a: {  	_ =	shalt  }
0x7b: {  	_ =	shalt  }
0x7c: {  	_ =	shalt  }
0x7d: {  	_ =	shalt  }
0x7e: {  	_ =	shalt  }
0x7f: {  	_ =	shalt  }
0x80: {  	_ =	shalt  }
0x81: {  	_ =	shalt  }
0x82: {  	_ =	shalt  }
0x83: {  	_ =	shalt  }
0x84: {  	_ =	shalt  }
0x85: {  	_ =	shalt  }
0x86: {  	_ =	shalt  }
0x87: {  	_ =	shalt  }
.Lfunc_end0:
.L_simem_size_0:
called_computation_lowered:
.L_overlay_start_0:
0x88: {  	s2 =	sld [smem:$0x3FD9]  }
0x89: {  	s3 =	sld [smem:$0x3FFE];
	_ =	sdelay $0x1  }
0x8a: {  	s1 =	srdreg.scid  }
0x8b: {  	s0 =	sand.u32 $0x1, s1  }
0x8c: {  	s17 =	sshll.u32 s0, $0xA;
	s2 =	sadd.s32 s3, s2  }
0x8d: {  	s2 =	sadd.s32 s2, s17  }
0x8e: {  	[smem:$0x3FC4] =	sst s2  }
0x8f: {  	_ = 	snop  }
0x90: {  	s2 =	sld [smem:$0x3FD0];
	(tm) =	ssettm $0x1  }
0x91: {  	s18 =	sld [smem:$0x3FFB];
	_ =	sdelay $0x3  }
0x92: {  	_ =	strace s18  }
0x93: {  	s3 =	sld [smem:$0x3FFC];
	_ =	sdelay $0x3  }
0x94: {  	_ =	strace s3  }
0x95: {  	s3 =	sld [smem:$0x3FFD];
	_ =	sdelay $0x3  }
0x96: {  	_ =	strace s3  }
0x97: {  	_ =	strace $0x8FFFFFFF  }
0x98: {  	s19 =	sld [smem:$0x3FDB];
	_ =	sdelay $0x1  }
0x99: {  	s4 =	simm.s32 $_scs_section_size  }
0x9a: {  	s5 =	simm.s32 $_size__tile_overlayer_lowered;
	s6 =	simm.s32 $_tile_overlayer_lowered  }
0x9b: {  	s22 =	simm.s32 $0x1BFF;
	s21 =	sshll.u32 s6, $0x1;
	s3 =	sadd.s32 s4, s19  }
0x9c: {  	s7 =	simm.s32 $0x0;
	s20 =	sshll.u32 s5, $0x1;
	s5 =	sadd.s32 s21, s3  }
0x9d: {  	[timem:s7], [sflag:s22] =	dma.local [hbm:s5], s20  }
0x9e: {  	_ =	swait.ge [sflag:s22], s20  }
0x9f: {  	s4 =	ssub.s32 $0x0, s20;
	[sflag:s22] =	ssyncset.done $0x0  }
0xa0: {  	[sflag:s22] =	ssyncadd.s32 s4;
	_ =	sdelay $0x1  }
0xa1: {  	s23 =	simm.s32 $0x1B8B  }
0xa2: {  	_ =	swait.ge [sflag:s23], $0x1  }
0xa3: {  	[sflag:s23] =	ssyncset.done $0x0  }
0xa4: {  	s25 =	simm.s32 $0x1B8E;
	s24 =	sld [smem:$0x3FFE];
	[sflag:s23] =	ssyncadd.s32 $0xFFFFFFFF  }
0xa5: {  	s26 =	simm.s32 $execute0_lowered;
	[smem:$0x3FD2] =	sst s25  }
0xa6: {  	s5 =	sshll.u32 s26, $0x1;
	_ =	strace $0x80000046;
	[dreg:$0x1] =	wrdreg $0xFFFFFFFF  }
0xa7: {  	s28 =	simm.s32 $_size_execute0_lowered;
	s3 =	sadd.s32 s3, s5;
	[dreg:$0x0] =	wrdreg $0x0  }
0xa8: {  	s5 =	sshll.u32 s28, $0x1;
	[dreg:$0x2] =	wrdreg s3  }
0xa9: {  	[dreg:$0x3] =	wrdreg s5  }
0xaa: {  	[dreg:$0x4] =	wrdreg $0xC0  }
0xab: {  	_ =	task [dreg:s7], $0x5FFFF  }
0xac: {  	[dreg:$0x1] =	wrdreg $0xFFFFFFFF  }
0xad: {  	[dreg:$0x0] =	wrdreg $0x60  }
0xae: {  	[dreg:$0x2] =	wrdreg s2  }
0xaf: {  	[dreg:$0x3] =	wrdreg s24  }
0xb0: {  	[dreg:$0x4] =	wrdreg $0x0  }
0xb1: {  	[dreg:$0x5] =	wrdreg $0x9  }
0xb2: {  	_ =	task.clear_ibuf [dreg:s7], $0x6FFFF;
	_ =	strace $0x90000046  }
0xb3: {  	s29 =	simm.s32 $0x9;
	_ =	strace $0x80000048  }
0xb4: {  	_ =	swait.ge [sflag:s29], $0x1  }
0xb5: {  	[sflag:s29] =	ssyncadd.s32 $0xFFFFFFFF  }
0xb6: {  	_ =	strace $0x90000048  }
0xb7: {  	_ =	sfence  }
0xb8: {  	s30 =	sld [smem:$0x0];
	_ =	sdelay $0x2  }
0xb9: {  	s31 =	sshll.u32 s1, $0xD;
	s1 =	sshrl.u32 s1, $0x2  }
0xba: {  	s3 =	sand.u32 $0x4000, s31;
	s1 =	sadd.s32 s1, s30  }
0xbb: {  	s0 =	sor.u32 s3, s0;
	s1 =	sshll.u32 s1, $0x11  }
0xbc: {  	s0 =	sor.u32 s1, s0  }
0xbd: {  	s0 =	sadd.s32 $0x8F2B, s0  }
0xbe: {  	[sflag:s0] =	ssyncadd.remote.s32 $0x1  }
0xbf: {  	_ =	sfence.sel $0xFFFF  }
0xc0: {  	[dreg:$0x0] =	wrdreg $0xFFFFFFFF;
	(pc) =	sbr.abs _section_cstart, $3  }
0xc1: {  	[dreg:$0x1] =	wrdreg $0xFFFFFFFF  }
0xc2: {  	_ =	task.clear_ibuf [dreg:s7], $0x2FFFF;
	_ =	strace $0x9FFFFFFF  }
0xc3: {  	(tm) =	ssettm $0x7FFFFFFF  }
tec
execute0_lowered:
.L_overlay_start_1:
0x0: {  	(tag) =	ssettag $0x1  }
0x1: {  	s1 =	rddreg [dreg:$0x0]  }
0x2: {  	s0 =	rddreg [dreg:$0x1]  }
0x3: {  	s3 =	rddreg [dreg:$0x2];
	s4 =	simm.s32 $0x0  }
0x4: {  	s11 =	stileid.u32;
	s6 =	srdreg.scid;
	s18 =	simm.s32 $0x7  }
0x5: {  	s20 =	simm.s32 $0xC900;
	s28 =	simm.s32 $0xCC80;
	s29 =	simm.s32 $0xF600  }
0x6: {  	s30 =	simm.s32 $0x4;
	s31 =	simm.s32 $0xCD00;
	s19 =	simm.s32 $0xCD80  }
0x7: {  	s14 =	simm.s32 $0x5;
	[smem:$0x7FF] =	sst s4;
	s2 =	smul.u32 $0xA00, s11  }
0x8: {  	s5 =	sadd.s32 $0x1400, s0;
	s6 =	sand.u32 $0x1, s6;
	s7 =	smul.u32 $0x32000, s11  }
0x9: {  	s12 =	sadd.s32 $0x3C400, s0;
	s13 =	sadd.s32 $0x23C00, s0;
	s9 =	smul.u32 $0xC300, s11  }
0xa: {  	s25 =	sadd.s32 $0xC3000, s3;
	p2 =	seq.s32 s11, $0xF;
	p3 =	sne.s32 s11, $0xF  }
0xb: {  	_ =	strace $0x80000047;
	s21 =	ssub.s32 $0x2, s6;
	[dreg:$0x5] =	wrdreg s13  }
0xc: {  	p0 =	seq.s32 s6, $0x0;
	[dreg:$0x4] =	wrdreg s12;
	s16 =	smov.u32 s5  }
0xd: {  	p1 =	sne.s32 s6, $0x0;
	s26 =	sshrl.u32 s25, $0x3;
	s6 =	simm.s32 $0x1  }
0xe: {  	s2 =	sadd.s32 s2, s0;
	s8 =	sshrl.u32 s21, $0x1;
	s7 =	sshrl.u32 s7, $0x2  }
0xf: {  	s22 =	sshrl.u32 s9, $0x3;
	s24 =	sadd.s32 s9, s3;
	s16 =	smov.u32 @p0 s1  }
0x10: {  	[dreg:$0xd] =	wrdreg s26;
	s26 =	simm.s32 $0xCE00;
	s9 =	simm.s32 $0x0  }
0x11: {  	s0 =	ssub.s32 s21, s8;
	s7 =	sadd.s32 s7, s3;
	s10 =	sadd.s32 $0x19C00, s2  }
0x12: {  	s2 =	sadd.s32 $0x19C20, s2;
	s23 =	sadd.s32 s13, s22;
	[dreg:$0xa] =	wrdreg s24  }
0x13: {  	s21 =	simm.s32 $0x2;
	s24 =	simm.s32 $0xCC00;
	[dreg:$0x6] =	wrdreg s7  }
.Ltmp0:
0x14: {  	s7 =	sadd.s32 $0x6400, s7;
	[dreg:$0x8] =	wrdreg s2;
	(pc) =	sbr.rel .LBB2_1-.Ltmp0, $4  }
0x15: {  	[dreg:$0x9] =	wrdreg s23;
	s0 =	smax.u32 s0, $0x1;
	s23 =	simm.s32 $0x80  }
0x16: {  	s2 =	simm.s32 $0xCA80;
	[dreg:$0x7] =	wrdreg s7;
	s7 =	sadd.s32 s12, s22  }
0x17: {  	[dreg:$0xc] =	wrdreg s0;
	s22 =	simm.s32 $0x3;
	s0 =	simm.s32 $0x11E00  }
0x18: {  	v0 =	vimm.f32 $0.0e+00;
	s12 =	simm.s32 $0x14600;
	[dreg:$0xb] =	wrdreg s7;
	s7 =	simm.s32 $0xCA00  }
.LBB2_10:
0x19: {  	s8 =	sadd.s32 $0x18600, s13;
	s25 =	rddreg [dreg:$0xd]  }
0x1a: {  	[hbm:s8], [sflag:s11] =	dma.local [spmem:s25], $0xA0  }
0x1b: {  	_ =	swait.ge [sflag:s18], $0xA0  }
0x1c: {  	[sflag:s18] =	ssyncset.done $0x0  }
0x1d: {  	[sflag:s18] =	ssyncadd.s32 $0xFFFFFF60  }
.LBB2_11:
0x1e: {  	s9 =	sadd.s32 $0x1, s9;
	s8 =	rddreg [dreg:$0xc]  }
0x1f: {  	p4 =	sne.s32 s9, s8  }
.Ltmp1:
0x20: {  	_ = 	snop;
	(pc) =	sbr.rel @!p4 .LBB2_12-.Ltmp1, $1  }
0x21: {  	_ =	sdelay $0x3  }
.LBB2_1:
0x22: {  	s13 =	simm.s32 $0x240;
	s11 =	simm.s32 $0x40  }
.LBB2_2:
0x23: {  	p4 =	sne.s32 s13, $0x18FC0;
	[tilespmem:s11+$0x16E00] =	vst v0;
	s17 =	smov.u32 s13;
	s13 =	sadd.s32 $0x140, s13  }
.Ltmp2:
0x24: {  	[tilespmem:s11+$0x16DF0] =	vst v0;
	(pc) =	sbr.rel @p4 .LBB2_2-.Ltmp2, $4  }
0x25: {  	[tilespmem:s11+$0x16DE0] =	vst v0  }
0x26: {  	[tilespmem:s11+$0x16DC0] =	vst v0  }
0x27: {  	[tilespmem:s11+$0x16DD0] =	vst v0  }
0x28: {  	s11 =	sshra.s32 s17, $0x2  }
0x29: {  	[tilespmem:s11+$0x16E00] =	vst v0  }
0x2a: {  	[tilespmem:s11+$0x16DF0] =	vst v0  }
0x2b: {  	[tilespmem:s11+$0x16DE0] =	vst v0  }
0x2c: {  	[tilespmem:s11+$0x16DC0] =	vst v0  }
0x2d: {  	[tilespmem:s11+$0x16DD0] =	vst v0;
	s8 =	rddreg [dreg:$0x6];
	s13 =	simm.s32 $0x16E00  }
0x2e: {  	[spmem:s8] =	stream.linear.scatter [tilespmem:s13], [sflag:$0x7], $0x6400, $0x38;
	[tilespmem:$0x1D200] =	vst v63  }
0x2f: {  	_ =	swait.ge [sflag:s18], $0x6400  }
0x30: {  	[sflag:s18] =	ssyncset.done $0x0  }
0x31: {  	s15 =	rddreg [dreg:$0x7];
	[sflag:s18] =	ssyncadd.s32 $0xFFFF9C00  }
0x32: {  	[spmem:s15] =	stream.linear.scatter [tilespmem:s13], [sflag:$0x7], $0x6400, $0x38;
	[tilespmem:$0x1D200] =	vst v63  }
0x33: {  	_ =	swait.ge [sflag:s18], $0x6400  }
0x34: {  	[sflag:s18] =	ssyncset.done $0x0  }
0x35: {  	[sflag:s18] =	ssyncadd.s32 $0xFFFF9C00  }
0x36: {  	s17 =	simm.s32 $0xC800;
	[bflag:$0x0] =	sbarrier.arrive $0xFFFF  }
0x37: {  	[tilespmem:s17], [sflag:$0x7] =	stream.linear.gather [hbm4b:s10+s4], $0x100, $0x38;
	[tilespmem:$0x1D200] =	vst v63  }
0x38: {  	_ =	swait.ge [sflag:s18], $0x100  }
0x39: {  	[sflag:s18] =	ssyncset.done $0x0  }
0x3a: {  	[sflag:s18] =	ssyncadd.s32 $0xFFFFFF00  }
0x3b: {  	v1 =	vld [tilespmem:$0xC800];
	_ =	sdelay $0x1  }
0x3c: {  	v2 =	vld [tilespmem:$0xC810];
	_ =	sdelay $0x1  }
0x3d: {  	v3 =	vld [tilespmem:$0xC820]  }
0x3e: {  	v4 =	vshrl.u32 v1, $0xE  }
0x3f: {  	v59 =	vld [tilespmem:$0xC830];
	v1 =	vand.u32 $0x3FFF, v1;
	[tilespmem:$0xCA00] =	vst v4  }
0x40: {  	[tilespmem:$0xCC00] =	vst v1;
	v1 =	vshrl.u32 v2, $0xE  }
0x41: {  	[tilespmem:$0xCA10] =	vst v1;
	v1 =	vand.u32 $0x3FFF, v2;
	v2 =	vld [tilespmem:$0xC840]  }
0x42: {  	[tilespmem:$0xCC10] =	vst v1;
	v1 =	vshrl.u32 v3, $0xE  }
0x43: {  	[tilespmem:$0xCA20] =	vst v1;
	v1 =	vand.u32 $0x3FFF, v3;
	v3 =	vld [tilespmem:$0xC850]  }
0x44: {  	[tilespmem:$0xCC20] =	vst v1;
	v1 =	vshrl.u32 v59, $0xE  }
0x45: {  	v60 =	vld [tilespmem:$0xC860];
	[tilespmem:$0xCA30] =	vst v1;
	v1 =	vand.u32 $0x3FFF, v59  }
0x46: {  	[tilespmem:$0xCC30] =	vst v1;
	v1 =	vshrl.u32 v2, $0xE  }
0x47: {  	[tilespmem:$0xCA40] =	vst v1;
	v1 =	vand.u32 $0x3FFF, v2;
	v2 =	vld [tilespmem:$0xC870]  }
0x48: {  	[tilespmem:$0xCC40] =	vst v1;
	v1 =	vshrl.u32 v3, $0xE  }
0x49: {  	[tilespmem:$0xCA50] =	vst v1;
	v1 =	vand.u32 $0x3FFF, v3;
	v3 =	vld [tilespmem:$0xC880]  }
0x4a: {  	[tilespmem:$0xCC50] =	vst v1;
	v1 =	vshrl.u32 v60, $0xE  }
0x4b: {  	v61 =	vld [tilespmem:$0xC890];
	[tilespmem:$0xCA60] =	vst v1;
	v1 =	vand.u32 $0x3FFF, v60  }
0x4c: {  	[tilespmem:$0xCC60] =	vst v1;
	v1 =	vshrl.u32 v2, $0xE  }
0x4d: {  	[tilespmem:$0xCA70] =	vst v1;
	v1 =	vand.u32 $0x3FFF, v2;
	v2 =	vld [tilespmem:$0xC8A0]  }
0x4e: {  	[tilespmem:$0xCC70] =	vst v1;
	v1 =	vshrl.u32 v3, $0xE  }
0x4f: {  	[tilespmem:$0xCA80] =	vst v1;
	v1 =	vand.u32 $0x3FFF, v3;
	v3 =	vld [tilespmem:$0xC8B0]  }
0x50: {  	[tilespmem:$0xCC80] =	vst v1;
	v1 =	vshrl.u32 v61, $0xE  }
0x51: {  	v62 =	vld [tilespmem:$0xC8C0];
	[tilespmem:$0xCA90] =	vst v1;
	v1 =	vand.u32 $0x3FFF, v61  }
0x52: {  	[tilespmem:$0xCC90] =	vst v1;
	v1 =	vshrl.u32 v2, $0xE  }
0x53: {  	[tilespmem:$0xCAA0] =	vst v1;
	v1 =	vand.u32 $0x3FFF, v2;
	v2 =	vld [tilespmem:$0xC8D0]  }
0x54: {  	[tilespmem:$0xCCA0] =	vst v1;
	v1 =	vshrl.u32 v3, $0xE  }
0x55: {  	[tilespmem:$0xCAB0] =	vst v1;
	v1 =	vand.u32 $0x3FFF, v3;
	v3 =	vld [tilespmem:$0xC8E0]  }
0x56: {  	[tilespmem:$0xCCB0] =	vst v1;
	v1 =	vshrl.u32 v62, $0xE  }
0x57: {  	v63 =	vld [tilespmem:$0xC8F0];
	[tilespmem:$0xCAC0] =	vst v1;
	v1 =	vand.u32 $0x3FFF, v62  }
0x58: {  	[tilespmem:$0xCCC0] =	vst v1;
	v1 =	vshrl.u32 v2, $0xE  }
0x59: {  	[tilespmem:$0xCAD0] =	vst v1;
	v1 =	vand.u32 $0x3FFF, v2  }
0x5a: {  	[tilespmem:$0xCCD0] =	vst v1;
	v1 =	vshrl.u32 v3, $0xE  }
0x5b: {  	[tilespmem:$0xCAE0] =	vst v1;
	v1 =	vand.u32 $0x3FFF, v3  }
0x5c: {  	[tilespmem:$0xCCE0] =	vst v1;
	v1 =	vshrl.u32 v63, $0xE  }
0x5d: {  	[tilespmem:$0xCAF0] =	vst v1;
	v1 =	vand.u32 $0x3FFF, v63  }
0x5e: {  	s11 =	simm.s32 @p0 $0x80;
	s13 =	simm.s32 @p0 $0xCA00;
	s17 =	simm.s32 @p0 $0xCE00;
	[tilespmem:$0xCCF0] =	vst v1  }
0x5f: {  	[tilespmem:s17], [sflag:$0x3] =	stream.indirect.gather @p0 [hbm4b:s1+s11], $0x50, s13, s11, $0xb8;
	[tilespmem:$0x1D200] =	vst v63  }
0x60: {  	s13 =	simm.s32 @p0 $0xCA80;
	s17 =	simm.s32 @p0 $0xF600  }
0x61: {  	[tilespmem:s17], [sflag:$0x3] =	stream.indirect.gather @p0 [hbm4b:s1+s11], $0x50, s13, s11, $0xb8;
	[tilespmem:$0x1D200] =	vst v63  }
0x62: {  	s15 =	simm.s32 @!p0 $0xCE00;
	s17 =	simm.s32 @!p0 $0x80;
	s13 =	simm.s32 @!p0 $0xCA00  }
0x63: {  	[tilespmem:s15], [sflag:$0x3] =	stream.indirect.gather @!p0 [hbm4b:s5+s17], $0x50, s13, s17, $0xb8;
	[tilespmem:$0x1D200] =	vst v63  }
.Ltmp3:
0x64: {  	_ = 	snop;
	(pc) =	sbr.rel .LBB2_4-.Ltmp3, $4  }
0x65: {  	s13 =	simm.s32 @!p0 $0xCA80;
	s15 =	simm.s32 @!p0 $0xF600  }
0x66: {  	[tilespmem:s15], [sflag:$0x3] =	stream.indirect.gather @!p0 [hbm4b:s5+s17], $0x50, s13, s17, $0xb8;
	[tilespmem:$0x1D200] =	vst v63  }
0x67: {  	s25 =	rddreg [dreg:$0x8];
	s13 =	simm.s32 $0x0  }
0x68: {  	[tilespmem:s20], [sflag:$0x2] =	stream.linear.gather [hbm4b:s25+s13], $0x100, $0x38;
	[tilespmem:$0x1D200] =	vst v63  }
.LBB2_6:
0x69: {  	_ =	swait.ge [sflag:s30], $0x2800  }
0x6a: {  	[sflag:s30] =	ssyncset.done $0x0  }
0x6b: {  	s13 =	sadd.s32 $0x40, s13;
	[sflag:s30] =	ssyncadd.s32 $0xFFFFD800  }
0x6c: {  	p4 =	sne.s32 s13, $0xA00;
	_ =	swait.ge [sflag:s30], $0x2800  }
.Ltmp4:
0x6d: {  	[sflag:s30] =	ssyncset.done $0x0;
	(pc) =	sbr.rel @!p4 .LBB2_7-.Ltmp4, $4  }
0x6e: {  	[sflag:s30] =	ssyncadd.s32 $0xFFFFD800  }
0x6f: {  	[spmem:s3] =	stream.indirect.scatter.add.f32 [tilespmem:s0], [sflag:$0x6], $0x50, s31, s23, $0xb8;
	[tilespmem:$0x1D200] =	vst v63  }
0x70: {  	_ = 	snop  }
0x71: {  	[spmem:s3] =	stream.indirect.scatter.add.f32 [tilespmem:s12], [sflag:$0x6], $0x50, s19, s23, $0xb8;
	[tilespmem:$0x1D200] =	vst v63  }
.LBB2_4:
0x72: {  	_ =	swait.ge [sflag:s21], $0x100  }
0x73: {  	p4 =	seq.s32 s13, $0x0;
	[sflag:s21] =	ssyncset.done $0x0  }
0x74: {  	s15 =	simm.s32 @!p4 $0x6;
	[sflag:s21] =	ssyncadd.s32 $0xFFFFFF00  }
0x75: {  	_ =	swait.ge @!p4 [sflag:s15], $0x2800  }
0x76: {  	[sflag:s15] =	ssyncset.done @!p4 $0x0  }
0x77: {  	[sflag:s15] =	ssyncadd.s32 @!p4 $0xFFFFD800  }
0x78: {  	_ =	swait.ge @!p4 [sflag:s15], $0x2800  }
0x79: {  	[sflag:s15] =	ssyncset.done @!p4 $0x0  }
0x7a: {  	[sflag:s15] =	ssyncadd.s32 @!p4 $0xFFFFD800  }
0x7b: {  	v1 =	vld [tilespmem:$0xC900];
	_ =	sdelay $0x1  }
0x7c: {  	v2 =	vld [tilespmem:$0xC910];
	_ =	sdelay $0x1  }
0x7d: {  	v3 =	vld [tilespmem:$0xC920]  }
0x7e: {  	v4 =	vshrl.u32 v1, $0xE  }
0x7f: {  	v59 =	vld [tilespmem:$0xC930];
	v1 =	vand.u32 $0x3FFF, v1;
	[tilespmem:$0xCB00] =	vst v4  }
0x80: {  	[tilespmem:$0xCD00] =	vst v1;
	v1 =	vshrl.u32 v2, $0xE  }
0x81: {  	[tilespmem:$0xCB10] =	vst v1;
	v1 =	vand.u32 $0x3FFF, v2;
	v2 =	vld [tilespmem:$0xC940]  }
0x82: {  	[tilespmem:$0xCD10] =	vst v1;
	v1 =	vshrl.u32 v3, $0xE  }
0x83: {  	[tilespmem:$0xCB20] =	vst v1;
	v1 =	vand.u32 $0x3FFF, v3;
	v3 =	vld [tilespmem:$0xC950]  }
0x84: {  	[tilespmem:$0xCD20] =	vst v1;
	v1 =	vshrl.u32 v59, $0xE  }
0x85: {  	v60 =	vld [tilespmem:$0xC960];
	[tilespmem:$0xCB30] =	vst v1;
	v1 =	vand.u32 $0x3FFF, v59  }
0x86: {  	[tilespmem:$0xCD30] =	vst v1;
	v1 =	vshrl.u32 v2, $0xE  }
0x87: {  	[tilespmem:$0xCB40] =	vst v1;
	v1 =	vand.u32 $0x3FFF, v2;
	v2 =	vld [tilespmem:$0xC970]  }
0x88: {  	[tilespmem:$0xCD40] =	vst v1;
	v1 =	vshrl.u32 v3, $0xE  }
0x89: {  	[tilespmem:$0xCB50] =	vst v1;
	v1 =	vand.u32 $0x3FFF, v3;
	v3 =	vld [tilespmem:$0xC980]  }
0x8a: {  	[tilespmem:$0xCD50] =	vst v1;
	v1 =	vshrl.u32 v60, $0xE  }
0x8b: {  	v61 =	vld [tilespmem:$0xC990];
	[tilespmem:$0xCB60] =	vst v1;
	v1 =	vand.u32 $0x3FFF, v60  }
0x8c: {  	[tilespmem:$0xCD60] =	vst v1;
	v1 =	vshrl.u32 v2, $0xE  }
0x8d: {  	[tilespmem:$0xCB70] =	vst v1;
	v1 =	vand.u32 $0x3FFF, v2;
	v2 =	vld [tilespmem:$0xC9A0]  }
0x8e: {  	[tilespmem:$0xCD70] =	vst v1;
	v1 =	vshrl.u32 v3, $0xE  }
0x8f: {  	[tilespmem:$0xCB80] =	vst v1;
	v1 =	vand.u32 $0x3FFF, v3;
	v3 =	vld [tilespmem:$0xC9B0]  }
0x90: {  	[tilespmem:$0xCD80] =	vst v1;
	v1 =	vshrl.u32 v61, $0xE  }
0x91: {  	v62 =	vld [tilespmem:$0xC9C0];
	[tilespmem:$0xCB90] =	vst v1;
	v1 =	vand.u32 $0x3FFF, v61  }
0x92: {  	[tilespmem:$0xCD90] =	vst v1;
	v1 =	vshrl.u32 v2, $0xE  }
0x93: {  	[tilespmem:$0xCBA0] =	vst v1;
	v1 =	vand.u32 $0x3FFF, v2;
	v2 =	vld [tilespmem:$0xC9D0]  }
0x94: {  	[tilespmem:$0xCDA0] =	vst v1;
	v1 =	vshrl.u32 v3, $0xE  }
0x95: {  	[tilespmem:$0xCBB0] =	vst v1;
	v1 =	vand.u32 $0x3FFF, v3;
	v3 =	vld [tilespmem:$0xC9E0]  }
0x96: {  	[tilespmem:$0xCDB0] =	vst v1;
	v1 =	vshrl.u32 v62, $0xE  }
0x97: {  	v63 =	vld [tilespmem:$0xC9F0];
	[tilespmem:$0xCBC0] =	vst v1;
	v1 =	vand.u32 $0x3FFF, v62  }
0x98: {  	[tilespmem:$0xCDC0] =	vst v1;
	v1 =	vshrl.u32 v2, $0xE  }
0x99: {  	[tilespmem:$0xCBD0] =	vst v1;
	v1 =	vand.u32 $0x3FFF, v2  }
0x9a: {  	[tilespmem:$0xCDD0] =	vst v1;
	v1 =	vshrl.u32 v3, $0xE  }
0x9b: {  	[tilespmem:$0xCBE0] =	vst v1;
	v1 =	vand.u32 $0x3FFF, v3  }
0x9c: {  	p4 =	seq.s32 s13, $0x9C0;
	[tilespmem:$0xCDE0] =	vst v1;
	v1 =	vshrl.u32 v63, $0xE  }
0x9d: {  	s15 =	sadd.s32 @!p4 s13, s10;
	[tilespmem:$0xCBF0] =	vst v1;
	v1 =	vand.u32 $0x3FFF, v63  }
0x9e: {  	s8 =	simm.s32 @!p4 $0x0;
	s25 =	simm.s32 @!p4 $0xC800;
	s15 =	sadd.s32 @!p4 $0x40, s15;
	[tilespmem:$0xCDF0] =	vst v1  }
0x9f: {  	[tilespmem:s25], [sflag:$0x1] =	stream.linear.gather @!p4 [hbm4b:s15+s8], $0x100, $0x38;
	[tilespmem:$0x1D200] =	vst v63  }
0xa0: {  	s8 =	simm.s32 @p0 $0xCB00;
	s15 =	simm.s32 @p0 $0x11E00  }
0xa1: {  	[tilespmem:s15], [sflag:$0x4] =	stream.indirect.gather @p0 [hbm4b:s1+s11], $0x50, s8, s11, $0xb8;
	[tilespmem:$0x1D200] =	vst v63  }
0xa2: {  	s8 =	simm.s32 @p0 $0xCB80;
	s15 =	simm.s32 @p0 $0x14600  }
0xa3: {  	[tilespmem:s15], [sflag:$0x4] =	stream.indirect.gather @p0 [hbm4b:s1+s11], $0x50, s8, s11, $0xb8;
	[tilespmem:$0x1D200] =	vst v63  }
0xa4: {  	s8 =	simm.s32 @!p0 $0xCB00;
	s15 =	simm.s32 @!p0 $0x11E00  }
0xa5: {  	[tilespmem:s15], [sflag:$0x4] =	stream.indirect.gather @!p0 [hbm4b:s5+s17], $0x50, s8, s17, $0xb8;
	[tilespmem:$0x1D200] =	vst v63  }
0xa6: {  	s8 =	simm.s32 @!p0 $0xCB80;
	s15 =	simm.s32 @!p0 $0x14600  }
0xa7: {  	[tilespmem:s15], [sflag:$0x4] =	stream.indirect.gather @!p0 [hbm4b:s5+s17], $0x50, s8, s17, $0xb8;
	[tilespmem:$0x1D200] =	vst v63  }
0xa8: {  	_ =	swait.ge [sflag:s22], $0x2800  }
0xa9: {  	[sflag:s22] =	ssyncset.done $0x0  }
0xaa: {  	[sflag:s22] =	ssyncadd.s32 $0xFFFFD800  }
0xab: {  	_ =	swait.ge [sflag:s22], $0x2800  }
.Ltmp5:
0xac: {  	[sflag:s22] =	ssyncset.done $0x0;
	(pc) =	sbr.rel @p4 .LBB2_6-.Ltmp5, $4  }
0xad: {  	[sflag:s22] =	ssyncadd.s32 $0xFFFFD800  }
0xae: {  	[spmem:s3] =	stream.indirect.scatter.add.f32 [tilespmem:s26], [sflag:$0x5], $0x50, s24, s23, $0xb8;
	[tilespmem:$0x1D200] =	vst v63  }
0xaf: {  	_ = 	snop  }
0xb0: {  	[spmem:s3] =	stream.indirect.scatter.add.f32 [tilespmem:s29], [sflag:$0x5], $0x50, s28, s23, $0xb8;
	[tilespmem:$0x1D200] =	vst v63  }
0xb1: {  	_ =	swait.ge [sflag:s6], $0x100  }
0xb2: {  	[sflag:s6] =	ssyncset.done $0x0  }
0xb3: {  	[sflag:s6] =	ssyncadd.s32 $0xFFFFFF00  }
0xb4: {  	_ =	swait.ge [sflag:s14], $0x2800  }
0xb5: {  	[sflag:s14] =	ssyncset.done $0x0  }
0xb6: {  	[sflag:s14] =	ssyncadd.s32 $0xFFFFD800  }
0xb7: {  	_ =	swait.ge [sflag:s14], $0x2800  }
0xb8: {  	[sflag:s14] =	ssyncset.done $0x0  }
0xb9: {  	[sflag:s14] =	ssyncadd.s32 $0xFFFFD800  }
0xba: {  	v1 =	vld [tilespmem:$0xC800];
	_ =	sdelay $0x1  }
0xbb: {  	v2 =	vld [tilespmem:$0xC810];
	_ =	sdelay $0x1  }
0xbc: {  	v3 =	vld [tilespmem:$0xC820]  }
0xbd: {  	v4 =	vshrl.u32 v1, $0xE  }
0xbe: {  	v59 =	vld [tilespmem:$0xC830];
	v1 =	vand.u32 $0x3FFF, v1;
	[tilespmem:$0xCA00] =	vst v4  }
0xbf: {  	[tilespmem:$0xCC00] =	vst v1;
	v1 =	vshrl.u32 v2, $0xE  }
0xc0: {  	[tilespmem:$0xCA10] =	vst v1;
	v1 =	vand.u32 $0x3FFF, v2;
	v2 =	vld [tilespmem:$0xC840]  }
0xc1: {  	[tilespmem:$0xCC10] =	vst v1;
	v1 =	vshrl.u32 v3, $0xE  }
0xc2: {  	[tilespmem:$0xCA20] =	vst v1;
	v1 =	vand.u32 $0x3FFF, v3;
	v3 =	vld [tilespmem:$0xC850]  }
0xc3: {  	[tilespmem:$0xCC20] =	vst v1;
	v1 =	vshrl.u32 v59, $0xE  }
0xc4: {  	v60 =	vld [tilespmem:$0xC860];
	[tilespmem:$0xCA30] =	vst v1;
	v1 =	vand.u32 $0x3FFF, v59  }
0xc5: {  	[tilespmem:$0xCC30] =	vst v1;
	v1 =	vshrl.u32 v2, $0xE  }
0xc6: {  	[tilespmem:$0xCA40] =	vst v1;
	v1 =	vand.u32 $0x3FFF, v2;
	v2 =	vld [tilespmem:$0xC870]  }
0xc7: {  	[tilespmem:$0xCC40] =	vst v1;
	v1 =	vshrl.u32 v3, $0xE  }
0xc8: {  	[tilespmem:$0xCA50] =	vst v1;
	v1 =	vand.u32 $0x3FFF, v3;
	v3 =	vld [tilespmem:$0xC880]  }
0xc9: {  	[tilespmem:$0xCC50] =	vst v1;
	v1 =	vshrl.u32 v60, $0xE  }
0xca: {  	v61 =	vld [tilespmem:$0xC890];
	[tilespmem:$0xCA60] =	vst v1;
	v1 =	vand.u32 $0x3FFF, v60  }
0xcb: {  	[tilespmem:$0xCC60] =	vst v1;
	v1 =	vshrl.u32 v2, $0xE  }
0xcc: {  	[tilespmem:$0xCA70] =	vst v1;
	v1 =	vand.u32 $0x3FFF, v2;
	v2 =	vld [tilespmem:$0xC8A0]  }
0xcd: {  	[tilespmem:$0xCC70] =	vst v1;
	v1 =	vshrl.u32 v3, $0xE  }
0xce: {  	[tilespmem:$0xCA80] =	vst v1;
	v1 =	vand.u32 $0x3FFF, v3;
	v3 =	vld [tilespmem:$0xC8B0]  }
0xcf: {  	[tilespmem:$0xCC80] =	vst v1;
	v1 =	vshrl.u32 v61, $0xE  }
0xd0: {  	v62 =	vld [tilespmem:$0xC8C0];
	[tilespmem:$0xCA90] =	vst v1;
	v1 =	vand.u32 $0x3FFF, v61  }
0xd1: {  	[tilespmem:$0xCC90] =	vst v1;
	v1 =	vshrl.u32 v2, $0xE  }
0xd2: {  	[tilespmem:$0xCAA0] =	vst v1;
	v1 =	vand.u32 $0x3FFF, v2;
	v2 =	vld [tilespmem:$0xC8D0]  }
0xd3: {  	[tilespmem:$0xCCA0] =	vst v1;
	v1 =	vshrl.u32 v3, $0xE  }
0xd4: {  	[tilespmem:$0xCAB0] =	vst v1;
	v1 =	vand.u32 $0x3FFF, v3;
	v3 =	vld [tilespmem:$0xC8E0]  }
0xd5: {  	[tilespmem:$0xCCB0] =	vst v1;
	v1 =	vshrl.u32 v62, $0xE  }
0xd6: {  	v63 =	vld [tilespmem:$0xC8F0];
	[tilespmem:$0xCAC0] =	vst v1;
	v1 =	vand.u32 $0x3FFF, v62  }
0xd7: {  	[tilespmem:$0xCCC0] =	vst v1;
	v1 =	vshrl.u32 v2, $0xE  }
0xd8: {  	[tilespmem:$0xCAD0] =	vst v1;
	v1 =	vand.u32 $0x3FFF, v2  }
0xd9: {  	[tilespmem:$0xCCD0] =	vst v1;
	v1 =	vshrl.u32 v3, $0xE  }
0xda: {  	[tilespmem:$0xCAE0] =	vst v1;
	v1 =	vand.u32 $0x3FFF, v3  }
0xdb: {  	[tilespmem:$0xCCE0] =	vst v1;
	v1 =	vshrl.u32 v63, $0xE  }
0xdc: {  	s8 =	sadd.s32 s13, s10;
	[tilespmem:$0xCAF0] =	vst v1;
	v1 =	vand.u32 $0x3FFF, v63  }
0xdd: {  	s8 =	sadd.s32 $0x60, s8;
	[tilespmem:$0xCCF0] =	vst v1  }
0xde: {  	[tilespmem:s20], [sflag:$0x2] =	stream.linear.gather [hbm4b:s8+s4], $0x100, $0x38;
	[tilespmem:$0x1D200] =	vst v63  }
.Ltmp6:
0xdf: {  	_ = 	snop;
	(pc) =	sbr.rel .LBB2_6-.Ltmp6, $4  }
0xe0: {  	_ = 	snop  }
0xe1: {  	[tilespmem:s26], [sflag:$0x3] =	stream.indirect.gather [hbm4b:s16+s23], $0x50, s7, s23, $0xb8;
	[tilespmem:$0x1D200] =	vst v63  }
0xe2: {  	_ = 	snop  }
0xe3: {  	[tilespmem:s29], [sflag:$0x3] =	stream.indirect.gather [hbm4b:s16+s23], $0x50, s2, s23, $0xb8;
	[tilespmem:$0x1D200] =	vst v63  }
.LBB2_7:
0xe4: {  	_ =	swait.ge [sflag:s14], $0x2800  }
0xe5: {  	[sflag:s14] =	ssyncset.done $0x0  }
0xe6: {  	[sflag:s14] =	ssyncadd.s32 $0xFFFFD800  }
0xe7: {  	_ =	swait.ge [sflag:s14], $0x2800  }
0xe8: {  	[sflag:s14] =	ssyncset.done $0x0  }
0xe9: {  	s8 =	simm.s32 $0x6;
	[sflag:s14] =	ssyncadd.s32 $0xFFFFD800  }
0xea: {  	_ =	swait.ge [sflag:s8], $0x2800  }
0xeb: {  	[sflag:s8] =	ssyncset.done $0x0  }
0xec: {  	[sflag:s8] =	ssyncadd.s32 $0xFFFFD800  }
0xed: {  	_ =	swait.ge [sflag:s8], $0x2800  }
.Ltmp7:
0xee: {  	[sflag:s8] =	ssyncset.done $0x0;
	(pc) =	sbr.rel @p1 .LBB2_9-.Ltmp7, $4  }
0xef: {  	[sflag:s8] =	ssyncadd.s32 $0xFFFFD800  }
0xf0: {  	s17 =	stileid.u32;
	[bflag:$0x0] =	sbarrier.arrive $0xFFFF  }
0xf1: {  	s17 =	sshll.u32 s17, $0x6;
	s25 =	rddreg [dreg:$0xa]  }
0xf2: {  	s11 =	sor.u32 $0x1C07, s17;
	s13 =	sshrl.u32 s25, $0x3  }
0xf3: {  	s11 =	sor.u32 $0x1C07, s17;
	s8 =	rddreg [dreg:$0xb]  }
0xf4: {  	[hbm:s8], [sflag:s11] =	dma.local [spmem:s13], $0x1860  }
.Ltmp8:
0xf5: {  	_ = 	snop;
	(pc) =	sbr.rel @p2 .LBB2_10-.Ltmp8, $4  }
.Ltmp9:
0xf6: {  	_ = 	snop;
	(pc) =	sbr.rel @!p2 .LBB2_11-.Ltmp9, $4  }
0xf7: {  	_ =	swait.ge [sflag:s18], $0x1860  }
0xf8: {  	[sflag:s18] =	ssyncset.done $0x0  }
0xf9: {  	s13 =	rddreg [dreg:$0x4];
	[sflag:s18] =	ssyncadd.s32 $0xFFFFE7A0  }
0xfa: {  	_ = 	snop  }
.LBB2_9:
0xfb: {  	s8 =	rddreg [dreg:$0x9]  }
0xfc: {  	[hbm:s8], [sflag:s11] =	dma.local [spmem:s13], $0x1860  }
.Ltmp10:
0xfd: {  	_ = 	snop;
	(pc) =	sbr.rel @p3 .LBB2_11-.Ltmp10, $4  }
.Ltmp11:
0xfe: {  	_ = 	snop;
	(pc) =	sbr.rel @!p3 .LBB2_10-.Ltmp11, $4  }
0xff: {  	_ =	swait.ge [sflag:s18], $0x1860  }
0x100: {  	[sflag:s18] =	ssyncset.done $0x0  }
0x101: {  	s13 =	rddreg [dreg:$0x5];
	[sflag:s18] =	ssyncadd.s32 $0xFFFFE7A0  }
0x102: {  	_ = 	snop  }
.LBB2_12:
0x103: {  	_ =	sfence.sel $0x180000  }
0x104: {  	[bflag:$0x0] =	sbarrier.arrive $0xFFFF  }
0x105: {  	_ =	strace $0x90000047  }
0x106: {  	s0 =	stileid.u32;
	[bflag:$0x2] =	sbarrier.arrive $0xFFFF  }
0x107: {  	p0 =	sne.s32 s0, $0x0;
	s0 =	rddreg [dreg:$0x3]  }
0x108: {  	s0 =	sadd.s32 @!p0 $0x100000, s0  }
0x109: {  	[sflag:s0] =	ssyncadd.tile.s32 @!p0 $0x1;
	_ =	shalt  }
.Lfunc_end2:
_tile_overlayer_lowered:
.L_overlay_start_2:
0x10a: {  	(tag) =	ssettag $0x2  }
0x10b: {  	s0 =	rddreg [dreg:$0x0];
	s2 =	stileid.u32  }
0x10c: {  	s1 =	rddreg [dreg:$0x1];
	p0 =	sne.s32 s2, $0x0  }
0x10d: {  	s3 =	rddreg [dreg:$0x2];
	[bflag:$0x3] =	sbarrier.arrive $0xFFFF;
	s2 =	simm.s32 @!p0 $0x1C07  }
0x10e: {  	[timem:s3], [sflag:s2] =	dma.local @!p0 [hbm:s0], s1  }
0x10f: {  	s0 =	simm.s32 @!p0 $0x7  }
0x110: {  	_ =	swait.ge @!p0 [sflag:s0], s1  }
0x111: {  	s1 =	ssub.s32 @!p0 $0x0, s1;
	[sflag:s0] =	ssyncset.done @!p0 $0x0  }
0x112: {  	[sflag:s0] =	ssyncadd.s32 @!p0 s1  }
0x113: {  	[bflag:$0x3] =	sbarrier.arrive $0xFFFF  }
0x114: {  	_ =	shalt  }

</sc_bundles>
